<compile_context>
chip_gen: v7x
topology: tpu7x:2x2x1
jax: 0.10.2.dev20260603
libtpu: 0.0.44.dev20260713+nightly
codegen_flags: <defaults>
</compile_context>

<pallas_src>
import functools

import jax
import jax.numpy as jnp
from jax import lax
from jax.experimental import pallas as pl
from jax.experimental.pallas import tpu as pltpu
from jax.experimental.pallas import tpu_sc as plsc

NUM_CORES = 2
NUM_SUBCORES = 16
NUM_W = NUM_CORES * NUM_SUBCORES
CHUNK = 128
VEC = 16


def _sc_gather_pairs(idx3, table2):
    n_w, n_chunks, _ = idx3.shape
    v2, d2 = table2.shape
    b_per_w = n_chunks * CHUNK
    batch = n_w * b_per_w

    mesh = plsc.VectorSubcoreMesh(core_axis_name="c", subcore_axis_name="s")

    @functools.partial(
        pl.kernel,
        mesh=mesh,
        out_type=jax.ShapeDtypeStruct((batch, d2), jnp.float32),
        scratch_types=[
            pltpu.VMEM((n_chunks, CHUNK), jnp.int32),
            pltpu.VMEM((n_chunks, CHUNK), jnp.int32),
            pltpu.VMEM((CHUNK, d2), jnp.float32),
            pltpu.VMEM((CHUNK, d2), jnp.float32),
            pltpu.SemaphoreType.DMA,
            pltpu.SemaphoreType.DMA,
        ],
    )
    def emb(idx_hbm, table2_hbm, out_hbm, idx_v, idxhi_v, rows_a, rows_b, sem_a, sem_b):
        wid = lax.axis_index("s") * NUM_CORES + lax.axis_index("c")
        base = wid * b_per_w
        pltpu.sync_copy(idx_hbm.at[wid], idx_v)
        for c in range(n_chunks):
            for k in range(CHUNK // VEC):
                sl = pl.ds(k * VEC, VEC)
                idxhi_v.at[c][sl] = lax.shift_right_logical(
                    idx_v.at[c][sl], 1
                )
        bufs = (rows_a, rows_b)
        sems = (sem_a, sem_b)
        pending = pltpu.async_copy(table2_hbm.at[idxhi_v.at[0]], bufs[0], sems[0])
        for c in range(n_chunks):
            buf = bufs[c % 2]
            pending.wait()
            if c + 1 < n_chunks:
                pending = pltpu.async_copy(
                    table2_hbm.at[idxhi_v.at[c + 1]], bufs[(c + 1) % 2], sems[(c + 1) % 2]
                )
            pltpu.sync_copy(
                buf, out_hbm.at[pl.ds(base + c * CHUNK, CHUNK)]
            )

    return emb(idx3, table2)


def _tc_select_kernel(sel_ref, pairs_ref, out_ref):
    odd = (sel_ref[...] & 1).astype(jnp.float32)
    pairs = pairs_ref[...]
    lo = pairs[:, :64]
    hi = pairs[:, 64:]
    out_ref[...] = lo + (hi - lo) * odd


def _tc_select(type_id2, pairs):
    batch = pairs.shape[0]
    block_b = 2048
    grid = (batch // block_b,)
    return pl.pallas_call(
        _tc_select_kernel,
        grid=grid,
        in_specs=[
            pl.BlockSpec((block_b, 1), lambda i: (i, 0)),
            pl.BlockSpec((block_b, 128), lambda i: (i, 0)),
        ],
        out_specs=pl.BlockSpec((block_b, 64), lambda i: (i, 0)),
        out_shape=jax.ShapeDtypeStruct((batch, 64), jnp.float32),
    )(type_id2, pairs)


def kernel(type_id, table):
    B = type_id.shape[0]
    V, D = table.shape
    b_per_w = B // NUM_W
    n_chunks = b_per_w // CHUNK

    idx3 = type_id.reshape(NUM_W, n_chunks, CHUNK)
    table2 = table.reshape(V // 2, 2 * D)

    pairs = _sc_gather_pairs(idx3, table2)
    return _tc_select(type_id.reshape(B, 1), pairs)

# --- scband reference (transcript-rebuilt; emitter-appended) ---
"""Pipeline reference for scband-random-init-embedding-9895604650684 (READ-ONLY COPY).

The authoritative reference and input builder live on the scoring server;
editing this copy changes nothing except your own understanding.
"""

import jax, jax.numpy as jnp
import numpy as np

NUM_TYPES = 1000000
EMBED_DIM = 64
BATCH = 16384

def setup_inputs(seed: int = 0) -> dict:
    key = jax.random.key(seed)
    k_idx, k_tab = jax.random.split(key)
    type_id = jax.random.randint(k_idx, (BATCH,), 0, NUM_TYPES, dtype=jnp.int64 if jax.config.jax_enable_x64 else jnp.int32).astype(jnp.int32)
    # nn.Embedding default init is N(0, 1)
    table = jax.random.normal(k_tab, (NUM_TYPES, EMBED_DIM), dtype=jnp.float32)
    return {"type_id": type_id, "table": table}

def reference(type_id, table):
    # RandomInitEmbedding.forward: embedding lookup of type_id -> [embed_dim] rows
    return jnp.take(table, type_id, axis=0)

if __name__ == "__main__":
    import jax
    _d = setup_inputs()
    print(jax.jit(kernel)(*tuple(_d.values())))

</pallas_src>

<mosaic_0001>
#map = affine_map<(d0, d1) -> (0, 0, 0)>
#map1 = affine_map<(d0, d1) -> (0, 0)>
module attributes {stable_mosaic.version = 14 : i64} {
  func.func @emb(%arg0: i32, %arg1: i32, %arg2: memref<32x4x128xi32, #tpu.memory_space<hbm>>, %arg3: memref<500000x128xf32, #tpu.memory_space<hbm>>, %arg4: memref<16384x128xf32, #tpu.memory_space<hbm>>, %arg5: memref<4x128xi32, #tpu.memory_space<vmem>>, %arg6: memref<4x128xi32, #tpu.memory_space<vmem>>, %arg7: memref<128x128xf32, #tpu.memory_space<vmem>>, %arg8: memref<128x128xf32, #tpu.memory_space<vmem>>, %arg9: memref<!tpu.dma_semaphore, #tpu.memory_space<semaphore_mem>>, %arg10: memref<!tpu.dma_semaphore, #tpu.memory_space<semaphore_mem>>) attributes {dimension_semantics = [#tpu.dimension_semantics<core_parallel>, #tpu.dimension_semantics<subcore_parallel>], iteration_bounds = array<i64: 2, 16>, scalar_prefetch = 0 : i64, scratch_operands = 6 : i64, tpu.core_type = #tpu.core_type<sc_vector_subcore>, window_params = [{transform_indices = #map}, {transform_indices = #map1}, {transform_indices = #map1}]} {
    %mul3A = arith.constant 2 : i32
    %mul3A_0 = arith.muli %arg1, %mul3A : i32
    %add3A = arith.addi %mul3A_0, %arg0 : i32
    %mul3A_1 = arith.constant 512 : i32
    %mul3A_2 = arith.muli %add3A, %mul3A_1 : i32
    "tpu.region"() ({
      %run_scoped3A = tpu.sem_alloc : memref<!tpu.dma_semaphore, #tpu.memory_space<semaphore_mem>>
      %dma_start3A_638 = arith.constant 0 : i32
      %dma_start3A_639 = arith.constant 0 : i32
      %dma_start3A_640 = tpu.memref_slice %arg2[%add3A, %dma_start3A_638, %dma_start3A_639] : memref<32x4x128xi32, #tpu.memory_space<hbm>> -> memref<1x4x128xi32, #tpu.memory_space<hbm>>
      %dma_start3A_641 = tpu.memref_squeeze %dma_start3A_640 : memref<1x4x128xi32, #tpu.memory_space<hbm>> -> memref<4x128xi32, #tpu.memory_space<hbm>>
      %dma_start3A_642 = arith.constant 0 : i32
      %dma_start3A_643 = arith.constant 0 : i32
      %dma_start3A_644 = tpu.memref_slice %arg2[%add3A, %dma_start3A_642, %dma_start3A_643] : memref<32x4x128xi32, #tpu.memory_space<hbm>> -> memref<1x4x128xi32, #tpu.memory_space<hbm>>
      %dma_start3A_645 = tpu.memref_squeeze %dma_start3A_644 : memref<1x4x128xi32, #tpu.memory_space<hbm>> -> memref<4x128xi32, #tpu.memory_space<hbm>>
      tpu.enqueue_dma source(%dma_start3A_645 : memref<4x128xi32, #tpu.memory_space<hbm>>) target(%arg5 : memref<4x128xi32, #tpu.memory_space<vmem>>) target_semaphore(%run_scoped3A : memref<!tpu.dma_semaphore, #tpu.memory_space<semaphore_mem>>)
      %dma_wait3A_646 = arith.constant 0 : i32
      %dma_wait3A_647 = arith.constant 0 : i32
      %dma_wait3A_648 = tpu.memref_slice %arg2[%add3A, %dma_wait3A_646, %dma_wait3A_647] : memref<32x4x128xi32, #tpu.memory_space<hbm>> -> memref<1x4x128xi32, #tpu.memory_space<hbm>>
      %dma_wait3A_649 = tpu.memref_squeeze %dma_wait3A_648 : memref<1x4x128xi32, #tpu.memory_space<hbm>> -> memref<4x128xi32, #tpu.memory_space<hbm>>
      %dma_wait3A_650 = arith.constant 0 : i32
      %dma_wait3A_651 = arith.constant 0 : i32
      %dma_wait3A_652 = tpu.memref_slice %arg2[%add3A, %dma_wait3A_650, %dma_wait3A_651] : memref<32x4x128xi32, #tpu.memory_space<hbm>> -> memref<1x4x128xi32, #tpu.memory_space<hbm>>
      %dma_wait3A_653 = tpu.memref_squeeze %dma_wait3A_652 : memref<1x4x128xi32, #tpu.memory_space<hbm>> -> memref<4x128xi32, #tpu.memory_space<hbm>>
      tpu.wait_dma2 semaphore(%run_scoped3A : memref<!tpu.dma_semaphore, #tpu.memory_space<semaphore_mem>>) src(%dma_wait3A_653 : memref<4x128xi32, #tpu.memory_space<hbm>>) dst(%arg5 : memref<4x128xi32, #tpu.memory_space<vmem>>)
      tpu.yield
    }) : () -> ()
    %get3A = arith.constant 0 : i32
    %get3A_3 = arith.constant 0 : i32
    %get3A_4 = tpu.memref_slice %arg5[%get3A, %get3A_3] : memref<4x128xi32, #tpu.memory_space<vmem>> -> memref<1x128xi32, #tpu.memory_space<vmem>>
    %get3A_5 = tpu.memref_squeeze %get3A_4 : memref<1x128xi32, #tpu.memory_space<vmem>> -> memref<128xi32, #tpu.memory_space<vmem>>
    %get3A_6 = arith.constant 0 : index
    %get3A_7 = tpu.vector_load %get3A_5[%get3A_6] {strides = array<i32>} : memref<128xi32, #tpu.memory_space<vmem>>, vector<16xi32>,
    %get3A_8 = vector.shape_cast %get3A_7 : vector<16xi32> to vector<16xi32>
    %shift_right_logical3A = arith.constant 1 : i32
    %shift_right_logical3A_9 = vector.broadcast %shift_right_logical3A : i32 to vector<16xi32>
    %shift_right_logical3A_10 = arith.shrui %get3A_8, %shift_right_logical3A_9 : vector<16xi32>
    %swap3A = arith.constant 0 : i32
    %swap3A_11 = arith.constant 0 : i32
    %swap3A_12 = tpu.memref_slice %arg6[%swap3A, %swap3A_11] : memref<4x128xi32, #tpu.memory_space<vmem>> -> memref<1x128xi32, #tpu.memory_space<vmem>>
    %swap3A_13 = tpu.memref_squeeze %swap3A_12 : memref<1x128xi32, #tpu.memory_space<vmem>> -> memref<128xi32, #tpu.memory_space<vmem>>
    %swap3A_14 = arith.constant 0 : index
    %swap3A_15 = tpu.vector_load %swap3A_13[%swap3A_14] {strides = array<i32>} : memref<128xi32, #tpu.memory_space<vmem>>, vector<16xi32>,
    %swap3A_16 = vector.shape_cast %swap3A_15 : vector<16xi32> to vector<16xi32>
    %swap3A_17 = vector.shape_cast %shift_right_logical3A_10 : vector<16xi32> to vector<16xi32>
    tpu.vector_store %swap3A_13[%swap3A_14], %swap3A_17 {strides = array<i32>} : memref<128xi32, #tpu.memory_space<vmem>>, vector<16xi32>,
    %get3A_18 = arith.constant 0 : i32
    %get3A_19 = arith.constant 0 : i32
    %get3A_20 = tpu.memref_slice %arg5[%get3A_18, %get3A_19] : memref<4x128xi32, #tpu.memory_space<vmem>> -> memref<1x128xi32, #tpu.memory_space<vmem>>
    %get3A_21 = tpu.memref_squeeze %get3A_20 : memref<1x128xi32, #tpu.memory_space<vmem>> -> memref<128xi32, #tpu.memory_space<vmem>>
    %get3A_22 = arith.constant 16 : index
    %get3A_23 = tpu.vector_load %get3A_21[%get3A_22] {strides = array<i32>} : memref<128xi32, #tpu.memory_space<vmem>>, vector<16xi32>,
    %get3A_24 = vector.shape_cast %get3A_23 : vector<16xi32> to vector<16xi32>
    %shift_right_logical3A_25 = arith.constant 1 : i32
    %shift_right_logical3A_26 = vector.broadcast %shift_right_logical3A_25 : i32 to vector<16xi32>
    %shift_right_logical3A_27 = arith.shrui %get3A_24, %shift_right_logical3A_26 : vector<16xi32>
    %swap3A_28 = arith.constant 0 : i32
    %swap3A_29 = arith.constant 0 : i32
    %swap3A_30 = tpu.memref_slice %arg6[%swap3A_28, %swap3A_29] : memref<4x128xi32, #tpu.memory_space<vmem>> -> memref<1x128xi32, #tpu.memory_space<vmem>>
    %swap3A_31 = tpu.memref_squeeze %swap3A_30 : memref<1x128xi32, #tpu.memory_space<vmem>> -> memref<128xi32, #tpu.memory_space<vmem>>
    %swap3A_32 = arith.constant 16 : index
    %swap3A_33 = tpu.vector_load %swap3A_31[%swap3A_32] {strides = array<i32>} : memref<128xi32, #tpu.memory_space<vmem>>, vector<16xi32>,
    %swap3A_34 = vector.shape_cast %swap3A_33 : vector<16xi32> to vector<16xi32>
    %swap3A_35 = vector.shape_cast %shift_right_logical3A_27 : vector<16xi32> to vector<16xi32>
    tpu.vector_store %swap3A_31[%swap3A_32], %swap3A_35 {strides = array<i32>} : memref<128xi32, #tpu.memory_space<vmem>>, vector<16xi32>,
    %get3A_36 = arith.constant 0 : i32
    %get3A_37 = arith.constant 0 : i32
    %get3A_38 = tpu.memref_slice %arg5[%get3A_36, %get3A_37] : memref<4x128xi32, #tpu.memory_space<vmem>> -> memref<1x128xi32, #tpu.memory_space<vmem>>
    %get3A_39 = tpu.memref_squeeze %get3A_38 : memref<1x128xi32, #tpu.memory_space<vmem>> -> memref<128xi32, #tpu.memory_space<vmem>>
    %get3A_40 = arith.constant 32 : index
    %get3A_41 = tpu.vector_load %get3A_39[%get3A_40] {strides = array<i32>} : memref<128xi32, #tpu.memory_space<vmem>>, vector<16xi32>,
    %get3A_42 = vector.shape_cast %get3A_41 : vector<16xi32> to vector<16xi32>
    %shift_right_logical3A_43 = arith.constant 1 : i32
    %shift_right_logical3A_44 = vector.broadcast %shift_right_logical3A_43 : i32 to vector<16xi32>
    %shift_right_logical3A_45 = arith.shrui %get3A_42, %shift_right_logical3A_44 : vector<16xi32>
    %swap3A_46 = arith.constant 0 : i32
    %swap3A_47 = arith.constant 0 : i32
    %swap3A_48 = tpu.memref_slice %arg6[%swap3A_46, %swap3A_47] : memref<4x128xi32, #tpu.memory_space<vmem>> -> memref<1x128xi32, #tpu.memory_space<vmem>>
    %swap3A_49 = tpu.memref_squeeze %swap3A_48 : memref<1x128xi32, #tpu.memory_space<vmem>> -> memref<128xi32, #tpu.memory_space<vmem>>
    %swap3A_50 = arith.constant 32 : index
    %swap3A_51 = tpu.vector_load %swap3A_49[%swap3A_50] {strides = array<i32>} : memref<128xi32, #tpu.memory_space<vmem>>, vector<16xi32>,
    %swap3A_52 = vector.shape_cast %swap3A_51 : vector<16xi32> to vector<16xi32>
    %swap3A_53 = vector.shape_cast %shift_right_logical3A_45 : vector<16xi32> to vector<16xi32>
    tpu.vector_store %swap3A_49[%swap3A_50], %swap3A_53 {strides = array<i32>} : memref<128xi32, #tpu.memory_space<vmem>>, vector<16xi32>,
    %get3A_54 = arith.constant 0 : i32
    %get3A_55 = arith.constant 0 : i32
    %get3A_56 = tpu.memref_slice %arg5[%get3A_54, %get3A_55] : memref<4x128xi32, #tpu.memory_space<vmem>> -> memref<1x128xi32, #tpu.memory_space<vmem>>
    %get3A_57 = tpu.memref_squeeze %get3A_56 : memref<1x128xi32, #tpu.memory_space<vmem>> -> memref<128xi32, #tpu.memory_space<vmem>>
    %get3A_58 = arith.constant 48 : index
    %get3A_59 = tpu.vector_load %get3A_57[%get3A_58] {strides = array<i32>} : memref<128xi32, #tpu.memory_space<vmem>>, vector<16xi32>,
    %get3A_60 = vector.shape_cast %get3A_59 : vector<16xi32> to vector<16xi32>
    %shift_right_logical3A_61 = arith.constant 1 : i32
    %shift_right_logical3A_62 = vector.broadcast %shift_right_logical3A_61 : i32 to vector<16xi32>
    %shift_right_logical3A_63 = arith.shrui %get3A_60, %shift_right_logical3A_62 : vector<16xi32>
    %swap3A_64 = arith.constant 0 : i32
    %swap3A_65 = arith.constant 0 : i32
    %swap3A_66 = tpu.memref_slice %arg6[%swap3A_64, %swap3A_65] : memref<4x128xi32, #tpu.memory_space<vmem>> -> memref<1x128xi32, #tpu.memory_space<vmem>>
    %swap3A_67 = tpu.memref_squeeze %swap3A_66 : memref<1x128xi32, #tpu.memory_space<vmem>> -> memref<128xi32, #tpu.memory_space<vmem>>
    %swap3A_68 = arith.constant 48 : index
    %swap3A_69 = tpu.vector_load %swap3A_67[%swap3A_68] {strides = array<i32>} : memref<128xi32, #tpu.memory_space<vmem>>, vector<16xi32>,
    %swap3A_70 = vector.shape_cast %swap3A_69 : vector<16xi32> to vector<16xi32>
    %swap3A_71 = vector.shape_cast %shift_right_logical3A_63 : vector<16xi32> to vector<16xi32>
    tpu.vector_store %swap3A_67[%swap3A_68], %swap3A_71 {strides = array<i32>} : memref<128xi32, #tpu.memory_space<vmem>>, vector<16xi32>,
    %get3A_72 = arith.constant 0 : i32
    %get3A_73 = arith.constant 0 : i32
    %get3A_74 = tpu.memref_slice %arg5[%get3A_72, %get3A_73] : memref<4x128xi32, #tpu.memory_space<vmem>> -> memref<1x128xi32, #tpu.memory_space<vmem>>
    %get3A_75 = tpu.memref_squeeze %get3A_74 : memref<1x128xi32, #tpu.memory_space<vmem>> -> memref<128xi32, #tpu.memory_space<vmem>>
    %get3A_76 = arith.constant 64 : index
    %get3A_77 = tpu.vector_load %get3A_75[%get3A_76] {strides = array<i32>} : memref<128xi32, #tpu.memory_space<vmem>>, vector<16xi32>,
    %get3A_78 = vector.shape_cast %get3A_77 : vector<16xi32> to vector<16xi32>
    %shift_right_logical3A_79 = arith.constant 1 : i32
    %shift_right_logical3A_80 = vector.broadcast %shift_right_logical3A_79 : i32 to vector<16xi32>
    %shift_right_logical3A_81 = arith.shrui %get3A_78, %shift_right_logical3A_80 : vector<16xi32>
    %swap3A_82 = arith.constant 0 : i32
    %swap3A_83 = arith.constant 0 : i32
    %swap3A_84 = tpu.memref_slice %arg6[%swap3A_82, %swap3A_83] : memref<4x128xi32, #tpu.memory_space<vmem>> -> memref<1x128xi32, #tpu.memory_space<vmem>>
    %swap3A_85 = tpu.memref_squeeze %swap3A_84 : memref<1x128xi32, #tpu.memory_space<vmem>> -> memref<128xi32, #tpu.memory_space<vmem>>
    %swap3A_86 = arith.constant 64 : index
    %swap3A_87 = tpu.vector_load %swap3A_85[%swap3A_86] {strides = array<i32>} : memref<128xi32, #tpu.memory_space<vmem>>, vector<16xi32>,
    %swap3A_88 = vector.shape_cast %swap3A_87 : vector<16xi32> to vector<16xi32>
    %swap3A_89 = vector.shape_cast %shift_right_logical3A_81 : vector<16xi32> to vector<16xi32>
    tpu.vector_store %swap3A_85[%swap3A_86], %swap3A_89 {strides = array<i32>} : memref<128xi32, #tpu.memory_space<vmem>>, vector<16xi32>,
    %get3A_90 = arith.constant 0 : i32
    %get3A_91 = arith.constant 0 : i32
    %get3A_92 = tpu.memref_slice %arg5[%get3A_90, %get3A_91] : memref<4x128xi32, #tpu.memory_space<vmem>> -> memref<1x128xi32, #tpu.memory_space<vmem>>
    %get3A_93 = tpu.memref_squeeze %get3A_92 : memref<1x128xi32, #tpu.memory_space<vmem>> -> memref<128xi32, #tpu.memory_space<vmem>>
    %get3A_94 = arith.constant 80 : index
    %get3A_95 = tpu.vector_load %get3A_93[%get3A_94] {strides = array<i32>} : memref<128xi32, #tpu.memory_space<vmem>>, vector<16xi32>,
    %get3A_96 = vector.shape_cast %get3A_95 : vector<16xi32> to vector<16xi32>
    %shift_right_logical3A_97 = arith.constant 1 : i32
    %shift_right_logical3A_98 = vector.broadcast %shift_right_logical3A_97 : i32 to vector<16xi32>
    %shift_right_logical3A_99 = arith.shrui %get3A_96, %shift_right_logical3A_98 : vector<16xi32>
    %swap3A_100 = arith.constant 0 : i32
    %swap3A_101 = arith.constant 0 : i32
    %swap3A_102 = tpu.memref_slice %arg6[%swap3A_100, %swap3A_101] : memref<4x128xi32, #tpu.memory_space<vmem>> -> memref<1x128xi32, #tpu.memory_space<vmem>>
    %swap3A_103 = tpu.memref_squeeze %swap3A_102 : memref<1x128xi32, #tpu.memory_space<vmem>> -> memref<128xi32, #tpu.memory_space<vmem>>
    %swap3A_104 = arith.constant 80 : index
    %swap3A_105 = tpu.vector_load %swap3A_103[%swap3A_104] {strides = array<i32>} : memref<128xi32, #tpu.memory_space<vmem>>, vector<16xi32>,
    %swap3A_106 = vector.shape_cast %swap3A_105 : vector<16xi32> to vector<16xi32>
    %swap3A_107 = vector.shape_cast %shift_right_logical3A_99 : vector<16xi32> to vector<16xi32>
    tpu.vector_store %swap3A_103[%swap3A_104], %swap3A_107 {strides = array<i32>} : memref<128xi32, #tpu.memory_space<vmem>>, vector<16xi32>,
    %get3A_108 = arith.constant 0 : i32
    %get3A_109 = arith.constant 0 : i32
    %get3A_110 = tpu.memref_slice %arg5[%get3A_108, %get3A_109] : memref<4x128xi32, #tpu.memory_space<vmem>> -> memref<1x128xi32, #tpu.memory_space<vmem>>
    %get3A_111 = tpu.memref_squeeze %get3A_110 : memref<1x128xi32, #tpu.memory_space<vmem>> -> memref<128xi32, #tpu.memory_space<vmem>>
    %get3A_112 = arith.constant 96 : index
    %get3A_113 = tpu.vector_load %get3A_111[%get3A_112] {strides = array<i32>} : memref<128xi32, #tpu.memory_space<vmem>>, vector<16xi32>,
    %get3A_114 = vector.shape_cast %get3A_113 : vector<16xi32> to vector<16xi32>
    %shift_right_logical3A_115 = arith.constant 1 : i32
    %shift_right_logical3A_116 = vector.broadcast %shift_right_logical3A_115 : i32 to vector<16xi32>
    %shift_right_logical3A_117 = arith.shrui %get3A_114, %shift_right_logical3A_116 : vector<16xi32>
    %swap3A_118 = arith.constant 0 : i32
    %swap3A_119 = arith.constant 0 : i32
    %swap3A_120 = tpu.memref_slice %arg6[%swap3A_118, %swap3A_119] : memref<4x128xi32, #tpu.memory_space<vmem>> -> memref<1x128xi32, #tpu.memory_space<vmem>>
    %swap3A_121 = tpu.memref_squeeze %swap3A_120 : memref<1x128xi32, #tpu.memory_space<vmem>> -> memref<128xi32, #tpu.memory_space<vmem>>
    %swap3A_122 = arith.constant 96 : index
    %swap3A_123 = tpu.vector_load %swap3A_121[%swap3A_122] {strides = array<i32>} : memref<128xi32, #tpu.memory_space<vmem>>, vector<16xi32>,
    %swap3A_124 = vector.shape_cast %swap3A_123 : vector<16xi32> to vector<16xi32>
    %swap3A_125 = vector.shape_cast %shift_right_logical3A_117 : vector<16xi32> to vector<16xi32>
    tpu.vector_store %swap3A_121[%swap3A_122], %swap3A_125 {strides = array<i32>} : memref<128xi32, #tpu.memory_space<vmem>>, vector<16xi32>,
    %get3A_126 = arith.constant 0 : i32
    %get3A_127 = arith.constant 0 : i32
    %get3A_128 = tpu.memref_slice %arg5[%get3A_126, %get3A_127] : memref<4x128xi32, #tpu.memory_space<vmem>> -> memref<1x128xi32, #tpu.memory_space<vmem>>
    %get3A_129 = tpu.memref_squeeze %get3A_128 : memref<1x128xi32, #tpu.memory_space<vmem>> -> memref<128xi32, #tpu.memory_space<vmem>>
    %get3A_130 = arith.constant 112 : index
    %get3A_131 = tpu.vector_load %get3A_129[%get3A_130] {strides = array<i32>} : memref<128xi32, #tpu.memory_space<vmem>>, vector<16xi32>,
    %get3A_132 = vector.shape_cast %get3A_131 : vector<16xi32> to vector<16xi32>
    %shift_right_logical3A_133 = arith.constant 1 : i32
    %shift_right_logical3A_134 = vector.broadcast %shift_right_logical3A_133 : i32 to vector<16xi32>
    %shift_right_logical3A_135 = arith.shrui %get3A_132, %shift_right_logical3A_134 : vector<16xi32>
    %swap3A_136 = arith.constant 0 : i32
    %swap3A_137 = arith.constant 0 : i32
    %swap3A_138 = tpu.memref_slice %arg6[%swap3A_136, %swap3A_137] : memref<4x128xi32, #tpu.memory_space<vmem>> -> memref<1x128xi32, #tpu.memory_space<vmem>>
    %swap3A_139 = tpu.memref_squeeze %swap3A_138 : memref<1x128xi32, #tpu.memory_space<vmem>> -> memref<128xi32, #tpu.memory_space<vmem>>
    %swap3A_140 = arith.constant 112 : index
    %swap3A_141 = tpu.vector_load %swap3A_139[%swap3A_140] {strides = array<i32>} : memref<128xi32, #tpu.memory_space<vmem>>, vector<16xi32>,
    %swap3A_142 = vector.shape_cast %swap3A_141 : vector<16xi32> to vector<16xi32>
    %swap3A_143 = vector.shape_cast %shift_right_logical3A_135 : vector<16xi32> to vector<16xi32>
    tpu.vector_store %swap3A_139[%swap3A_140], %swap3A_143 {strides = array<i32>} : memref<128xi32, #tpu.memory_space<vmem>>, vector<16xi32>,
    %get3A_144 = arith.constant 1 : i32
    %get3A_145 = arith.constant 0 : i32
    %get3A_146 = tpu.memref_slice %arg5[%get3A_144, %get3A_145] : memref<4x128xi32, #tpu.memory_space<vmem>> -> memref<1x128xi32, #tpu.memory_space<vmem>>
    %get3A_147 = tpu.memref_squeeze %get3A_146 : memref<1x128xi32, #tpu.memory_space<vmem>> -> memref<128xi32, #tpu.memory_space<vmem>>
    %get3A_148 = arith.constant 0 : index
    %get3A_149 = tpu.vector_load %get3A_147[%get3A_148] {strides = array<i32>} : memref<128xi32, #tpu.memory_space<vmem>>, vector<16xi32>,
    %get3A_150 = vector.shape_cast %get3A_149 : vector<16xi32> to vector<16xi32>
    %shift_right_logical3A_151 = arith.constant 1 : i32
    %shift_right_logical3A_152 = vector.broadcast %shift_right_logical3A_151 : i32 to vector<16xi32>
    %shift_right_logical3A_153 = arith.shrui %get3A_150, %shift_right_logical3A_152 : vector<16xi32>
    %swap3A_154 = arith.constant 1 : i32
    %swap3A_155 = arith.constant 0 : i32
    %swap3A_156 = tpu.memref_slice %arg6[%swap3A_154, %swap3A_155] : memref<4x128xi32, #tpu.memory_space<vmem>> -> memref<1x128xi32, #tpu.memory_space<vmem>>
    %swap3A_157 = tpu.memref_squeeze %swap3A_156 : memref<1x128xi32, #tpu.memory_space<vmem>> -> memref<128xi32, #tpu.memory_space<vmem>>
    %swap3A_158 = arith.constant 0 : index
    %swap3A_159 = tpu.vector_load %swap3A_157[%swap3A_158] {strides = array<i32>} : memref<128xi32, #tpu.memory_space<vmem>>, vector<16xi32>,
    %swap3A_160 = vector.shape_cast %swap3A_159 : vector<16xi32> to vector<16xi32>
    %swap3A_161 = vector.shape_cast %shift_right_logical3A_153 : vector<16xi32> to vector<16xi32>
    tpu.vector_store %swap3A_157[%swap3A_158], %swap3A_161 {strides = array<i32>} : memref<128xi32, #tpu.memory_space<vmem>>, vector<16xi32>,
    %get3A_162 = arith.constant 1 : i32
    %get3A_163 = arith.constant 0 : i32
    %get3A_164 = tpu.memref_slice %arg5[%get3A_162, %get3A_163] : memref<4x128xi32, #tpu.memory_space<vmem>> -> memref<1x128xi32, #tpu.memory_space<vmem>>
    %get3A_165 = tpu.memref_squeeze %get3A_164 : memref<1x128xi32, #tpu.memory_space<vmem>> -> memref<128xi32, #tpu.memory_space<vmem>>
    %get3A_166 = arith.constant 16 : index
    %get3A_167 = tpu.vector_load %get3A_165[%get3A_166] {strides = array<i32>} : memref<128xi32, #tpu.memory_space<vmem>>, vector<16xi32>,
    %get3A_168 = vector.shape_cast %get3A_167 : vector<16xi32> to vector<16xi32>
    %shift_right_logical3A_169 = arith.constant 1 : i32
    %shift_right_logical3A_170 = vector.broadcast %shift_right_logical3A_169 : i32 to vector<16xi32>
    %shift_right_logical3A_171 = arith.shrui %get3A_168, %shift_right_logical3A_170 : vector<16xi32>
    %swap3A_172 = arith.constant 1 : i32
    %swap3A_173 = arith.constant 0 : i32
    %swap3A_174 = tpu.memref_slice %arg6[%swap3A_172, %swap3A_173] : memref<4x128xi32, #tpu.memory_space<vmem>> -> memref<1x128xi32, #tpu.memory_space<vmem>>
    %swap3A_175 = tpu.memref_squeeze %swap3A_174 : memref<1x128xi32, #tpu.memory_space<vmem>> -> memref<128xi32, #tpu.memory_space<vmem>>
    %swap3A_176 = arith.constant 16 : index
    %swap3A_177 = tpu.vector_load %swap3A_175[%swap3A_176] {strides = array<i32>} : memref<128xi32, #tpu.memory_space<vmem>>, vector<16xi32>,
    %swap3A_178 = vector.shape_cast %swap3A_177 : vector<16xi32> to vector<16xi32>
    %swap3A_179 = vector.shape_cast %shift_right_logical3A_171 : vector<16xi32> to vector<16xi32>
    tpu.vector_store %swap3A_175[%swap3A_176], %swap3A_179 {strides = array<i32>} : memref<128xi32, #tpu.memory_space<vmem>>, vector<16xi32>,
    %get3A_180 = arith.constant 1 : i32
    %get3A_181 = arith.constant 0 : i32
    %get3A_182 = tpu.memref_slice %arg5[%get3A_180, %get3A_181] : memref<4x128xi32, #tpu.memory_space<vmem>> -> memref<1x128xi32, #tpu.memory_space<vmem>>
    %get3A_183 = tpu.memref_squeeze %get3A_182 : memref<1x128xi32, #tpu.memory_space<vmem>> -> memref<128xi32, #tpu.memory_space<vmem>>
    %get3A_184 = arith.constant 32 : index
    %get3A_185 = tpu.vector_load %get3A_183[%get3A_184] {strides = array<i32>} : memref<128xi32, #tpu.memory_space<vmem>>, vector<16xi32>,
    %get3A_186 = vector.shape_cast %get3A_185 : vector<16xi32> to vector<16xi32>
    %shift_right_logical3A_187 = arith.constant 1 : i32
    %shift_right_logical3A_188 = vector.broadcast %shift_right_logical3A_187 : i32 to vector<16xi32>
    %shift_right_logical3A_189 = arith.shrui %get3A_186, %shift_right_logical3A_188 : vector<16xi32>
    %swap3A_190 = arith.constant 1 : i32
    %swap3A_191 = arith.constant 0 : i32
    %swap3A_192 = tpu.memref_slice %arg6[%swap3A_190, %swap3A_191] : memref<4x128xi32, #tpu.memory_space<vmem>> -> memref<1x128xi32, #tpu.memory_space<vmem>>
    %swap3A_193 = tpu.memref_squeeze %swap3A_192 : memref<1x128xi32, #tpu.memory_space<vmem>> -> memref<128xi32, #tpu.memory_space<vmem>>
    %swap3A_194 = arith.constant 32 : index
    %swap3A_195 = tpu.vector_load %swap3A_193[%swap3A_194] {strides = array<i32>} : memref<128xi32, #tpu.memory_space<vmem>>, vector<16xi32>,
    %swap3A_196 = vector.shape_cast %swap3A_195 : vector<16xi32> to vector<16xi32>
    %swap3A_197 = vector.shape_cast %shift_right_logical3A_189 : vector<16xi32> to vector<16xi32>
    tpu.vector_store %swap3A_193[%swap3A_194], %swap3A_197 {strides = array<i32>} : memref<128xi32, #tpu.memory_space<vmem>>, vector<16xi32>,
    %get3A_198 = arith.constant 1 : i32
    %get3A_199 = arith.constant 0 : i32
    %get3A_200 = tpu.memref_slice %arg5[%get3A_198, %get3A_199] : memref<4x128xi32, #tpu.memory_space<vmem>> -> memref<1x128xi32, #tpu.memory_space<vmem>>
    %get3A_201 = tpu.memref_squeeze %get3A_200 : memref<1x128xi32, #tpu.memory_space<vmem>> -> memref<128xi32, #tpu.memory_space<vmem>>
    %get3A_202 = arith.constant 48 : index
    %get3A_203 = tpu.vector_load %get3A_201[%get3A_202] {strides = array<i32>} : memref<128xi32, #tpu.memory_space<vmem>>, vector<16xi32>,
    %get3A_204 = vector.shape_cast %get3A_203 : vector<16xi32> to vector<16xi32>
    %shift_right_logical3A_205 = arith.constant 1 : i32
    %shift_right_logical3A_206 = vector.broadcast %shift_right_logical3A_205 : i32 to vector<16xi32>
    %shift_right_logical3A_207 = arith.shrui %get3A_204, %shift_right_logical3A_206 : vector<16xi32>
    %swap3A_208 = arith.constant 1 : i32
    %swap3A_209 = arith.constant 0 : i32
    %swap3A_210 = tpu.memref_slice %arg6[%swap3A_208, %swap3A_209] : memref<4x128xi32, #tpu.memory_space<vmem>> -> memref<1x128xi32, #tpu.memory_space<vmem>>
    %swap3A_211 = tpu.memref_squeeze %swap3A_210 : memref<1x128xi32, #tpu.memory_space<vmem>> -> memref<128xi32, #tpu.memory_space<vmem>>
    %swap3A_212 = arith.constant 48 : index
    %swap3A_213 = tpu.vector_load %swap3A_211[%swap3A_212] {strides = array<i32>} : memref<128xi32, #tpu.memory_space<vmem>>, vector<16xi32>,
    %swap3A_214 = vector.shape_cast %swap3A_213 : vector<16xi32> to vector<16xi32>
    %swap3A_215 = vector.shape_cast %shift_right_logical3A_207 : vector<16xi32> to vector<16xi32>
    tpu.vector_store %swap3A_211[%swap3A_212], %swap3A_215 {strides = array<i32>} : memref<128xi32, #tpu.memory_space<vmem>>, vector<16xi32>,
    %get3A_216 = arith.constant 1 : i32
    %get3A_217 = arith.constant 0 : i32
    %get3A_218 = tpu.memref_slice %arg5[%get3A_216, %get3A_217] : memref<4x128xi32, #tpu.memory_space<vmem>> -> memref<1x128xi32, #tpu.memory_space<vmem>>
    %get3A_219 = tpu.memref_squeeze %get3A_218 : memref<1x128xi32, #tpu.memory_space<vmem>> -> memref<128xi32, #tpu.memory_space<vmem>>
    %get3A_220 = arith.constant 64 : index
    %get3A_221 = tpu.vector_load %get3A_219[%get3A_220] {strides = array<i32>} : memref<128xi32, #tpu.memory_space<vmem>>, vector<16xi32>,
    %get3A_222 = vector.shape_cast %get3A_221 : vector<16xi32> to vector<16xi32>
    %shift_right_logical3A_223 = arith.constant 1 : i32
    %shift_right_logical3A_224 = vector.broadcast %shift_right_logical3A_223 : i32 to vector<16xi32>
    %shift_right_logical3A_225 = arith.shrui %get3A_222, %shift_right_logical3A_224 : vector<16xi32>
    %swap3A_226 = arith.constant 1 : i32
    %swap3A_227 = arith.constant 0 : i32
    %swap3A_228 = tpu.memref_slice %arg6[%swap3A_226, %swap3A_227] : memref<4x128xi32, #tpu.memory_space<vmem>> -> memref<1x128xi32, #tpu.memory_space<vmem>>
    %swap3A_229 = tpu.memref_squeeze %swap3A_228 : memref<1x128xi32, #tpu.memory_space<vmem>> -> memref<128xi32, #tpu.memory_space<vmem>>
    %swap3A_230 = arith.constant 64 : index
    %swap3A_231 = tpu.vector_load %swap3A_229[%swap3A_230] {strides = array<i32>} : memref<128xi32, #tpu.memory_space<vmem>>, vector<16xi32>,
    %swap3A_232 = vector.shape_cast %swap3A_231 : vector<16xi32> to vector<16xi32>
    %swap3A_233 = vector.shape_cast %shift_right_logical3A_225 : vector<16xi32> to vector<16xi32>
    tpu.vector_store %swap3A_229[%swap3A_230], %swap3A_233 {strides = array<i32>} : memref<128xi32, #tpu.memory_space<vmem>>, vector<16xi32>,
    %get3A_234 = arith.constant 1 : i32
    %get3A_235 = arith.constant 0 : i32
    %get3A_236 = tpu.memref_slice %arg5[%get3A_234, %get3A_235] : memref<4x128xi32, #tpu.memory_space<vmem>> -> memref<1x128xi32, #tpu.memory_space<vmem>>
    %get3A_237 = tpu.memref_squeeze %get3A_236 : memref<1x128xi32, #tpu.memory_space<vmem>> -> memref<128xi32, #tpu.memory_space<vmem>>
    %get3A_238 = arith.constant 80 : index
    %get3A_239 = tpu.vector_load %get3A_237[%get3A_238] {strides = array<i32>} : memref<128xi32, #tpu.memory_space<vmem>>, vector<16xi32>,
    %get3A_240 = vector.shape_cast %get3A_239 : vector<16xi32> to vector<16xi32>
    %shift_right_logical3A_241 = arith.constant 1 : i32
    %shift_right_logical3A_242 = vector.broadcast %shift_right_logical3A_241 : i32 to vector<16xi32>
    %shift_right_logical3A_243 = arith.shrui %get3A_240, %shift_right_logical3A_242 : vector<16xi32>
    %swap3A_244 = arith.constant 1 : i32
    %swap3A_245 = arith.constant 0 : i32
    %swap3A_246 = tpu.memref_slice %arg6[%swap3A_244, %swap3A_245] : memref<4x128xi32, #tpu.memory_space<vmem>> -> memref<1x128xi32, #tpu.memory_space<vmem>>
    %swap3A_247 = tpu.memref_squeeze %swap3A_246 : memref<1x128xi32, #tpu.memory_space<vmem>> -> memref<128xi32, #tpu.memory_space<vmem>>
    %swap3A_248 = arith.constant 80 : index
    %swap3A_249 = tpu.vector_load %swap3A_247[%swap3A_248] {strides = array<i32>} : memref<128xi32, #tpu.memory_space<vmem>>, vector<16xi32>,
    %swap3A_250 = vector.shape_cast %swap3A_249 : vector<16xi32> to vector<16xi32>
    %swap3A_251 = vector.shape_cast %shift_right_logical3A_243 : vector<16xi32> to vector<16xi32>
    tpu.vector_store %swap3A_247[%swap3A_248], %swap3A_251 {strides = array<i32>} : memref<128xi32, #tpu.memory_space<vmem>>, vector<16xi32>,
    %get3A_252 = arith.constant 1 : i32
    %get3A_253 = arith.constant 0 : i32
    %get3A_254 = tpu.memref_slice %arg5[%get3A_252, %get3A_253] : memref<4x128xi32, #tpu.memory_space<vmem>> -> memref<1x128xi32, #tpu.memory_space<vmem>>
    %get3A_255 = tpu.memref_squeeze %get3A_254 : memref<1x128xi32, #tpu.memory_space<vmem>> -> memref<128xi32, #tpu.memory_space<vmem>>
    %get3A_256 = arith.constant 96 : index
    %get3A_257 = tpu.vector_load %get3A_255[%get3A_256] {strides = array<i32>} : memref<128xi32, #tpu.memory_space<vmem>>, vector<16xi32>,
    %get3A_258 = vector.shape_cast %get3A_257 : vector<16xi32> to vector<16xi32>
    %shift_right_logical3A_259 = arith.constant 1 : i32
    %shift_right_logical3A_260 = vector.broadcast %shift_right_logical3A_259 : i32 to vector<16xi32>
    %shift_right_logical3A_261 = arith.shrui %get3A_258, %shift_right_logical3A_260 : vector<16xi32>
    %swap3A_262 = arith.constant 1 : i32
    %swap3A_263 = arith.constant 0 : i32
    %swap3A_264 = tpu.memref_slice %arg6[%swap3A_262, %swap3A_263] : memref<4x128xi32, #tpu.memory_space<vmem>> -> memref<1x128xi32, #tpu.memory_space<vmem>>
    %swap3A_265 = tpu.memref_squeeze %swap3A_264 : memref<1x128xi32, #tpu.memory_space<vmem>> -> memref<128xi32, #tpu.memory_space<vmem>>
    %swap3A_266 = arith.constant 96 : index
    %swap3A_267 = tpu.vector_load %swap3A_265[%swap3A_266] {strides = array<i32>} : memref<128xi32, #tpu.memory_space<vmem>>, vector<16xi32>,
    %swap3A_268 = vector.shape_cast %swap3A_267 : vector<16xi32> to vector<16xi32>
    %swap3A_269 = vector.shape_cast %shift_right_logical3A_261 : vector<16xi32> to vector<16xi32>
    tpu.vector_store %swap3A_265[%swap3A_266], %swap3A_269 {strides = array<i32>} : memref<128xi32, #tpu.memory_space<vmem>>, vector<16xi32>,
    %get3A_270 = arith.constant 1 : i32
    %get3A_271 = arith.constant 0 : i32
    %get3A_272 = tpu.memref_slice %arg5[%get3A_270, %get3A_271] : memref<4x128xi32, #tpu.memory_space<vmem>> -> memref<1x128xi32, #tpu.memory_space<vmem>>
    %get3A_273 = tpu.memref_squeeze %get3A_272 : memref<1x128xi32, #tpu.memory_space<vmem>> -> memref<128xi32, #tpu.memory_space<vmem>>
    %get3A_274 = arith.constant 112 : index
    %get3A_275 = tpu.vector_load %get3A_273[%get3A_274] {strides = array<i32>} : memref<128xi32, #tpu.memory_space<vmem>>, vector<16xi32>,
    %get3A_276 = vector.shape_cast %get3A_275 : vector<16xi32> to vector<16xi32>
    %shift_right_logical3A_277 = arith.constant 1 : i32
    %shift_right_logical3A_278 = vector.broadcast %shift_right_logical3A_277 : i32 to vector<16xi32>
    %shift_right_logical3A_279 = arith.shrui %get3A_276, %shift_right_logical3A_278 : vector<16xi32>
    %swap3A_280 = arith.constant 1 : i32
    %swap3A_281 = arith.constant 0 : i32
    %swap3A_282 = tpu.memref_slice %arg6[%swap3A_280, %swap3A_281] : memref<4x128xi32, #tpu.memory_space<vmem>> -> memref<1x128xi32, #tpu.memory_space<vmem>>
    %swap3A_283 = tpu.memref_squeeze %swap3A_282 : memref<1x128xi32, #tpu.memory_space<vmem>> -> memref<128xi32, #tpu.memory_space<vmem>>
    %swap3A_284 = arith.constant 112 : index
    %swap3A_285 = tpu.vector_load %swap3A_283[%swap3A_284] {strides = array<i32>} : memref<128xi32, #tpu.memory_space<vmem>>, vector<16xi32>,
    %swap3A_286 = vector.shape_cast %swap3A_285 : vector<16xi32> to vector<16xi32>
    %swap3A_287 = vector.shape_cast %shift_right_logical3A_279 : vector<16xi32> to vector<16xi32>
    tpu.vector_store %swap3A_283[%swap3A_284], %swap3A_287 {strides = array<i32>} : memref<128xi32, #tpu.memory_space<vmem>>, vector<16xi32>,
    %get3A_288 = arith.constant 2 : i32
    %get3A_289 = arith.constant 0 : i32
    %get3A_290 = tpu.memref_slice %arg5[%get3A_288, %get3A_289] : memref<4x128xi32, #tpu.memory_space<vmem>> -> memref<1x128xi32, #tpu.memory_space<vmem>>
    %get3A_291 = tpu.memref_squeeze %get3A_290 : memref<1x128xi32, #tpu.memory_space<vmem>> -> memref<128xi32, #tpu.memory_space<vmem>>
    %get3A_292 = arith.constant 0 : index
    %get3A_293 = tpu.vector_load %get3A_291[%get3A_292] {strides = array<i32>} : memref<128xi32, #tpu.memory_space<vmem>>, vector<16xi32>,
    %get3A_294 = vector.shape_cast %get3A_293 : vector<16xi32> to vector<16xi32>
    %shift_right_logical3A_295 = arith.constant 1 : i32
    %shift_right_logical3A_296 = vector.broadcast %shift_right_logical3A_295 : i32 to vector<16xi32>
    %shift_right_logical3A_297 = arith.shrui %get3A_294, %shift_right_logical3A_296 : vector<16xi32>
    %swap3A_298 = arith.constant 2 : i32
    %swap3A_299 = arith.constant 0 : i32
    %swap3A_300 = tpu.memref_slice %arg6[%swap3A_298, %swap3A_299] : memref<4x128xi32, #tpu.memory_space<vmem>> -> memref<1x128xi32, #tpu.memory_space<vmem>>
    %swap3A_301 = tpu.memref_squeeze %swap3A_300 : memref<1x128xi32, #tpu.memory_space<vmem>> -> memref<128xi32, #tpu.memory_space<vmem>>
    %swap3A_302 = arith.constant 0 : index
    %swap3A_303 = tpu.vector_load %swap3A_301[%swap3A_302] {strides = array<i32>} : memref<128xi32, #tpu.memory_space<vmem>>, vector<16xi32>,
    %swap3A_304 = vector.shape_cast %swap3A_303 : vector<16xi32> to vector<16xi32>
    %swap3A_305 = vector.shape_cast %shift_right_logical3A_297 : vector<16xi32> to vector<16xi32>
    tpu.vector_store %swap3A_301[%swap3A_302], %swap3A_305 {strides = array<i32>} : memref<128xi32, #tpu.memory_space<vmem>>, vector<16xi32>,
    %get3A_306 = arith.constant 2 : i32
    %get3A_307 = arith.constant 0 : i32
    %get3A_308 = tpu.memref_slice %arg5[%get3A_306, %get3A_307] : memref<4x128xi32, #tpu.memory_space<vmem>> -> memref<1x128xi32, #tpu.memory_space<vmem>>
    %get3A_309 = tpu.memref_squeeze %get3A_308 : memref<1x128xi32, #tpu.memory_space<vmem>> -> memref<128xi32, #tpu.memory_space<vmem>>
    %get3A_310 = arith.constant 16 : index
    %get3A_311 = tpu.vector_load %get3A_309[%get3A_310] {strides = array<i32>} : memref<128xi32, #tpu.memory_space<vmem>>, vector<16xi32>,
    %get3A_312 = vector.shape_cast %get3A_311 : vector<16xi32> to vector<16xi32>
    %shift_right_logical3A_313 = arith.constant 1 : i32
    %shift_right_logical3A_314 = vector.broadcast %shift_right_logical3A_313 : i32 to vector<16xi32>
    %shift_right_logical3A_315 = arith.shrui %get3A_312, %shift_right_logical3A_314 : vector<16xi32>
    %swap3A_316 = arith.constant 2 : i32
    %swap3A_317 = arith.constant 0 : i32
    %swap3A_318 = tpu.memref_slice %arg6[%swap3A_316, %swap3A_317] : memref<4x128xi32, #tpu.memory_space<vmem>> -> memref<1x128xi32, #tpu.memory_space<vmem>>
    %swap3A_319 = tpu.memref_squeeze %swap3A_318 : memref<1x128xi32, #tpu.memory_space<vmem>> -> memref<128xi32, #tpu.memory_space<vmem>>
    %swap3A_320 = arith.constant 16 : index
    %swap3A_321 = tpu.vector_load %swap3A_319[%swap3A_320] {strides = array<i32>} : memref<128xi32, #tpu.memory_space<vmem>>, vector<16xi32>,
    %swap3A_322 = vector.shape_cast %swap3A_321 : vector<16xi32> to vector<16xi32>
    %swap3A_323 = vector.shape_cast %shift_right_logical3A_315 : vector<16xi32> to vector<16xi32>
    tpu.vector_store %swap3A_319[%swap3A_320], %swap3A_323 {strides = array<i32>} : memref<128xi32, #tpu.memory_space<vmem>>, vector<16xi32>,
    %get3A_324 = arith.constant 2 : i32
    %get3A_325 = arith.constant 0 : i32
    %get3A_326 = tpu.memref_slice %arg5[%get3A_324, %get3A_325] : memref<4x128xi32, #tpu.memory_space<vmem>> -> memref<1x128xi32, #tpu.memory_space<vmem>>
    %get3A_327 = tpu.memref_squeeze %get3A_326 : memref<1x128xi32, #tpu.memory_space<vmem>> -> memref<128xi32, #tpu.memory_space<vmem>>
    %get3A_328 = arith.constant 32 : index
    %get3A_329 = tpu.vector_load %get3A_327[%get3A_328] {strides = array<i32>} : memref<128xi32, #tpu.memory_space<vmem>>, vector<16xi32>,
    %get3A_330 = vector.shape_cast %get3A_329 : vector<16xi32> to vector<16xi32>
    %shift_right_logical3A_331 = arith.constant 1 : i32
    %shift_right_logical3A_332 = vector.broadcast %shift_right_logical3A_331 : i32 to vector<16xi32>
    %shift_right_logical3A_333 = arith.shrui %get3A_330, %shift_right_logical3A_332 : vector<16xi32>
    %swap3A_334 = arith.constant 2 : i32
    %swap3A_335 = arith.constant 0 : i32
    %swap3A_336 = tpu.memref_slice %arg6[%swap3A_334, %swap3A_335] : memref<4x128xi32, #tpu.memory_space<vmem>> -> memref<1x128xi32, #tpu.memory_space<vmem>>
    %swap3A_337 = tpu.memref_squeeze %swap3A_336 : memref<1x128xi32, #tpu.memory_space<vmem>> -> memref<128xi32, #tpu.memory_space<vmem>>
    %swap3A_338 = arith.constant 32 : index
    %swap3A_339 = tpu.vector_load %swap3A_337[%swap3A_338] {strides = array<i32>} : memref<128xi32, #tpu.memory_space<vmem>>, vector<16xi32>,
    %swap3A_340 = vector.shape_cast %swap3A_339 : vector<16xi32> to vector<16xi32>
    %swap3A_341 = vector.shape_cast %shift_right_logical3A_333 : vector<16xi32> to vector<16xi32>
    tpu.vector_store %swap3A_337[%swap3A_338], %swap3A_341 {strides = array<i32>} : memref<128xi32, #tpu.memory_space<vmem>>, vector<16xi32>,
    %get3A_342 = arith.constant 2 : i32
    %get3A_343 = arith.constant 0 : i32
    %get3A_344 = tpu.memref_slice %arg5[%get3A_342, %get3A_343] : memref<4x128xi32, #tpu.memory_space<vmem>> -> memref<1x128xi32, #tpu.memory_space<vmem>>
    %get3A_345 = tpu.memref_squeeze %get3A_344 : memref<1x128xi32, #tpu.memory_space<vmem>> -> memref<128xi32, #tpu.memory_space<vmem>>
    %get3A_346 = arith.constant 48 : index
    %get3A_347 = tpu.vector_load %get3A_345[%get3A_346] {strides = array<i32>} : memref<128xi32, #tpu.memory_space<vmem>>, vector<16xi32>,
    %get3A_348 = vector.shape_cast %get3A_347 : vector<16xi32> to vector<16xi32>
    %shift_right_logical3A_349 = arith.constant 1 : i32
    %shift_right_logical3A_350 = vector.broadcast %shift_right_logical3A_349 : i32 to vector<16xi32>
    %shift_right_logical3A_351 = arith.shrui %get3A_348, %shift_right_logical3A_350 : vector<16xi32>
    %swap3A_352 = arith.constant 2 : i32
    %swap3A_353 = arith.constant 0 : i32
    %swap3A_354 = tpu.memref_slice %arg6[%swap3A_352, %swap3A_353] : memref<4x128xi32, #tpu.memory_space<vmem>> -> memref<1x128xi32, #tpu.memory_space<vmem>>
    %swap3A_355 = tpu.memref_squeeze %swap3A_354 : memref<1x128xi32, #tpu.memory_space<vmem>> -> memref<128xi32, #tpu.memory_space<vmem>>
    %swap3A_356 = arith.constant 48 : index
    %swap3A_357 = tpu.vector_load %swap3A_355[%swap3A_356] {strides = array<i32>} : memref<128xi32, #tpu.memory_space<vmem>>, vector<16xi32>,
    %swap3A_358 = vector.shape_cast %swap3A_357 : vector<16xi32> to vector<16xi32>
    %swap3A_359 = vector.shape_cast %shift_right_logical3A_351 : vector<16xi32> to vector<16xi32>
    tpu.vector_store %swap3A_355[%swap3A_356], %swap3A_359 {strides = array<i32>} : memref<128xi32, #tpu.memory_space<vmem>>, vector<16xi32>,
    %get3A_360 = arith.constant 2 : i32
    %get3A_361 = arith.constant 0 : i32
    %get3A_362 = tpu.memref_slice %arg5[%get3A_360, %get3A_361] : memref<4x128xi32, #tpu.memory_space<vmem>> -> memref<1x128xi32, #tpu.memory_space<vmem>>
    %get3A_363 = tpu.memref_squeeze %get3A_362 : memref<1x128xi32, #tpu.memory_space<vmem>> -> memref<128xi32, #tpu.memory_space<vmem>>
    %get3A_364 = arith.constant 64 : index
    %get3A_365 = tpu.vector_load %get3A_363[%get3A_364] {strides = array<i32>} : memref<128xi32, #tpu.memory_space<vmem>>, vector<16xi32>,
    %get3A_366 = vector.shape_cast %get3A_365 : vector<16xi32> to vector<16xi32>
    %shift_right_logical3A_367 = arith.constant 1 : i32
    %shift_right_logical3A_368 = vector.broadcast %shift_right_logical3A_367 : i32 to vector<16xi32>
    %shift_right_logical3A_369 = arith.shrui %get3A_366, %shift_right_logical3A_368 : vector<16xi32>
    %swap3A_370 = arith.constant 2 : i32
    %swap3A_371 = arith.constant 0 : i32
    %swap3A_372 = tpu.memref_slice %arg6[%swap3A_370, %swap3A_371] : memref<4x128xi32, #tpu.memory_space<vmem>> -> memref<1x128xi32, #tpu.memory_space<vmem>>
    %swap3A_373 = tpu.memref_squeeze %swap3A_372 : memref<1x128xi32, #tpu.memory_space<vmem>> -> memref<128xi32, #tpu.memory_space<vmem>>
    %swap3A_374 = arith.constant 64 : index
    %swap3A_375 = tpu.vector_load %swap3A_373[%swap3A_374] {strides = array<i32>} : memref<128xi32, #tpu.memory_space<vmem>>, vector<16xi32>,
    %swap3A_376 = vector.shape_cast %swap3A_375 : vector<16xi32> to vector<16xi32>
    %swap3A_377 = vector.shape_cast %shift_right_logical3A_369 : vector<16xi32> to vector<16xi32>
    tpu.vector_store %swap3A_373[%swap3A_374], %swap3A_377 {strides = array<i32>} : memref<128xi32, #tpu.memory_space<vmem>>, vector<16xi32>,
    %get3A_378 = arith.constant 2 : i32
    %get3A_379 = arith.constant 0 : i32
    %get3A_380 = tpu.memref_slice %arg5[%get3A_378, %get3A_379] : memref<4x128xi32, #tpu.memory_space<vmem>> -> memref<1x128xi32, #tpu.memory_space<vmem>>
    %get3A_381 = tpu.memref_squeeze %get3A_380 : memref<1x128xi32, #tpu.memory_space<vmem>> -> memref<128xi32, #tpu.memory_space<vmem>>
    %get3A_382 = arith.constant 80 : index
    %get3A_383 = tpu.vector_load %get3A_381[%get3A_382] {strides = array<i32>} : memref<128xi32, #tpu.memory_space<vmem>>, vector<16xi32>,
    %get3A_384 = vector.shape_cast %get3A_383 : vector<16xi32> to vector<16xi32>
    %shift_right_logical3A_385 = arith.constant 1 : i32
    %shift_right_logical3A_386 = vector.broadcast %shift_right_logical3A_385 : i32 to vector<16xi32>
    %shift_right_logical3A_387 = arith.shrui %get3A_384, %shift_right_logical3A_386 : vector<16xi32>
    %swap3A_388 = arith.constant 2 : i32
    %swap3A_389 = arith.constant 0 : i32
    %swap3A_390 = tpu.memref_slice %arg6[%swap3A_388, %swap3A_389] : memref<4x128xi32, #tpu.memory_space<vmem>> -> memref<1x128xi32, #tpu.memory_space<vmem>>
    %swap3A_391 = tpu.memref_squeeze %swap3A_390 : memref<1x128xi32, #tpu.memory_space<vmem>> -> memref<128xi32, #tpu.memory_space<vmem>>
    %swap3A_392 = arith.constant 80 : index
    %swap3A_393 = tpu.vector_load %swap3A_391[%swap3A_392] {strides = array<i32>} : memref<128xi32, #tpu.memory_space<vmem>>, vector<16xi32>,
    %swap3A_394 = vector.shape_cast %swap3A_393 : vector<16xi32> to vector<16xi32>
    %swap3A_395 = vector.shape_cast %shift_right_logical3A_387 : vector<16xi32> to vector<16xi32>
    tpu.vector_store %swap3A_391[%swap3A_392], %swap3A_395 {strides = array<i32>} : memref<128xi32, #tpu.memory_space<vmem>>, vector<16xi32>,
    %get3A_396 = arith.constant 2 : i32
    %get3A_397 = arith.constant 0 : i32
    %get3A_398 = tpu.memref_slice %arg5[%get3A_396, %get3A_397] : memref<4x128xi32, #tpu.memory_space<vmem>> -> memref<1x128xi32, #tpu.memory_space<vmem>>
    %get3A_399 = tpu.memref_squeeze %get3A_398 : memref<1x128xi32, #tpu.memory_space<vmem>> -> memref<128xi32, #tpu.memory_space<vmem>>
    %get3A_400 = arith.constant 96 : index
    %get3A_401 = tpu.vector_load %get3A_399[%get3A_400] {strides = array<i32>} : memref<128xi32, #tpu.memory_space<vmem>>, vector<16xi32>,
    %get3A_402 = vector.shape_cast %get3A_401 : vector<16xi32> to vector<16xi32>
    %shift_right_logical3A_403 = arith.constant 1 : i32
    %shift_right_logical3A_404 = vector.broadcast %shift_right_logical3A_403 : i32 to vector<16xi32>
    %shift_right_logical3A_405 = arith.shrui %get3A_402, %shift_right_logical3A_404 : vector<16xi32>
    %swap3A_406 = arith.constant 2 : i32
    %swap3A_407 = arith.constant 0 : i32
    %swap3A_408 = tpu.memref_slice %arg6[%swap3A_406, %swap3A_407] : memref<4x128xi32, #tpu.memory_space<vmem>> -> memref<1x128xi32, #tpu.memory_space<vmem>>
    %swap3A_409 = tpu.memref_squeeze %swap3A_408 : memref<1x128xi32, #tpu.memory_space<vmem>> -> memref<128xi32, #tpu.memory_space<vmem>>
    %swap3A_410 = arith.constant 96 : index
    %swap3A_411 = tpu.vector_load %swap3A_409[%swap3A_410] {strides = array<i32>} : memref<128xi32, #tpu.memory_space<vmem>>, vector<16xi32>,
    %swap3A_412 = vector.shape_cast %swap3A_411 : vector<16xi32> to vector<16xi32>
    %swap3A_413 = vector.shape_cast %shift_right_logical3A_405 : vector<16xi32> to vector<16xi32>
    tpu.vector_store %swap3A_409[%swap3A_410], %swap3A_413 {strides = array<i32>} : memref<128xi32, #tpu.memory_space<vmem>>, vector<16xi32>,
    %get3A_414 = arith.constant 2 : i32
    %get3A_415 = arith.constant 0 : i32
    %get3A_416 = tpu.memref_slice %arg5[%get3A_414, %get3A_415] : memref<4x128xi32, #tpu.memory_space<vmem>> -> memref<1x128xi32, #tpu.memory_space<vmem>>
    %get3A_417 = tpu.memref_squeeze %get3A_416 : memref<1x128xi32, #tpu.memory_space<vmem>> -> memref<128xi32, #tpu.memory_space<vmem>>
    %get3A_418 = arith.constant 112 : index
    %get3A_419 = tpu.vector_load %get3A_417[%get3A_418] {strides = array<i32>} : memref<128xi32, #tpu.memory_space<vmem>>, vector<16xi32>,
    %get3A_420 = vector.shape_cast %get3A_419 : vector<16xi32> to vector<16xi32>
    %shift_right_logical3A_421 = arith.constant 1 : i32
    %shift_right_logical3A_422 = vector.broadcast %shift_right_logical3A_421 : i32 to vector<16xi32>
    %shift_right_logical3A_423 = arith.shrui %get3A_420, %shift_right_logical3A_422 : vector<16xi32>
    %swap3A_424 = arith.constant 2 : i32
    %swap3A_425 = arith.constant 0 : i32
    %swap3A_426 = tpu.memref_slice %arg6[%swap3A_424, %swap3A_425] : memref<4x128xi32, #tpu.memory_space<vmem>> -> memref<1x128xi32, #tpu.memory_space<vmem>>
    %swap3A_427 = tpu.memref_squeeze %swap3A_426 : memref<1x128xi32, #tpu.memory_space<vmem>> -> memref<128xi32, #tpu.memory_space<vmem>>
    %swap3A_428 = arith.constant 112 : index
    %swap3A_429 = tpu.vector_load %swap3A_427[%swap3A_428] {strides = array<i32>} : memref<128xi32, #tpu.memory_space<vmem>>, vector<16xi32>,
    %swap3A_430 = vector.shape_cast %swap3A_429 : vector<16xi32> to vector<16xi32>
    %swap3A_431 = vector.shape_cast %shift_right_logical3A_423 : vector<16xi32> to vector<16xi32>
    tpu.vector_store %swap3A_427[%swap3A_428], %swap3A_431 {strides = array<i32>} : memref<128xi32, #tpu.memory_space<vmem>>, vector<16xi32>,
    %get3A_432 = arith.constant 3 : i32
    %get3A_433 = arith.constant 0 : i32
    %get3A_434 = tpu.memref_slice %arg5[%get3A_432, %get3A_433] : memref<4x128xi32, #tpu.memory_space<vmem>> -> memref<1x128xi32, #tpu.memory_space<vmem>>
    %get3A_435 = tpu.memref_squeeze %get3A_434 : memref<1x128xi32, #tpu.memory_space<vmem>> -> memref<128xi32, #tpu.memory_space<vmem>>
    %get3A_436 = arith.constant 0 : index
    %get3A_437 = tpu.vector_load %get3A_435[%get3A_436] {strides = array<i32>} : memref<128xi32, #tpu.memory_space<vmem>>, vector<16xi32>,
    %get3A_438 = vector.shape_cast %get3A_437 : vector<16xi32> to vector<16xi32>
    %shift_right_logical3A_439 = arith.constant 1 : i32
    %shift_right_logical3A_440 = vector.broadcast %shift_right_logical3A_439 : i32 to vector<16xi32>
    %shift_right_logical3A_441 = arith.shrui %get3A_438, %shift_right_logical3A_440 : vector<16xi32>
    %swap3A_442 = arith.constant 3 : i32
    %swap3A_443 = arith.constant 0 : i32
    %swap3A_444 = tpu.memref_slice %arg6[%swap3A_442, %swap3A_443] : memref<4x128xi32, #tpu.memory_space<vmem>> -> memref<1x128xi32, #tpu.memory_space<vmem>>
    %swap3A_445 = tpu.memref_squeeze %swap3A_444 : memref<1x128xi32, #tpu.memory_space<vmem>> -> memref<128xi32, #tpu.memory_space<vmem>>
    %swap3A_446 = arith.constant 0 : index
    %swap3A_447 = tpu.vector_load %swap3A_445[%swap3A_446] {strides = array<i32>} : memref<128xi32, #tpu.memory_space<vmem>>, vector<16xi32>,
    %swap3A_448 = vector.shape_cast %swap3A_447 : vector<16xi32> to vector<16xi32>
    %swap3A_449 = vector.shape_cast %shift_right_logical3A_441 : vector<16xi32> to vector<16xi32>
    tpu.vector_store %swap3A_445[%swap3A_446], %swap3A_449 {strides = array<i32>} : memref<128xi32, #tpu.memory_space<vmem>>, vector<16xi32>,
    %get3A_450 = arith.constant 3 : i32
    %get3A_451 = arith.constant 0 : i32
    %get3A_452 = tpu.memref_slice %arg5[%get3A_450, %get3A_451] : memref<4x128xi32, #tpu.memory_space<vmem>> -> memref<1x128xi32, #tpu.memory_space<vmem>>
    %get3A_453 = tpu.memref_squeeze %get3A_452 : memref<1x128xi32, #tpu.memory_space<vmem>> -> memref<128xi32, #tpu.memory_space<vmem>>
    %get3A_454 = arith.constant 16 : index
    %get3A_455 = tpu.vector_load %get3A_453[%get3A_454] {strides = array<i32>} : memref<128xi32, #tpu.memory_space<vmem>>, vector<16xi32>,
    %get3A_456 = vector.shape_cast %get3A_455 : vector<16xi32> to vector<16xi32>
    %shift_right_logical3A_457 = arith.constant 1 : i32
    %shift_right_logical3A_458 = vector.broadcast %shift_right_logical3A_457 : i32 to vector<16xi32>
    %shift_right_logical3A_459 = arith.shrui %get3A_456, %shift_right_logical3A_458 : vector<16xi32>
    %swap3A_460 = arith.constant 3 : i32
    %swap3A_461 = arith.constant 0 : i32
    %swap3A_462 = tpu.memref_slice %arg6[%swap3A_460, %swap3A_461] : memref<4x128xi32, #tpu.memory_space<vmem>> -> memref<1x128xi32, #tpu.memory_space<vmem>>
    %swap3A_463 = tpu.memref_squeeze %swap3A_462 : memref<1x128xi32, #tpu.memory_space<vmem>> -> memref<128xi32, #tpu.memory_space<vmem>>
    %swap3A_464 = arith.constant 16 : index
    %swap3A_465 = tpu.vector_load %swap3A_463[%swap3A_464] {strides = array<i32>} : memref<128xi32, #tpu.memory_space<vmem>>, vector<16xi32>,
    %swap3A_466 = vector.shape_cast %swap3A_465 : vector<16xi32> to vector<16xi32>
    %swap3A_467 = vector.shape_cast %shift_right_logical3A_459 : vector<16xi32> to vector<16xi32>
    tpu.vector_store %swap3A_463[%swap3A_464], %swap3A_467 {strides = array<i32>} : memref<128xi32, #tpu.memory_space<vmem>>, vector<16xi32>,
    %get3A_468 = arith.constant 3 : i32
    %get3A_469 = arith.constant 0 : i32
    %get3A_470 = tpu.memref_slice %arg5[%get3A_468, %get3A_469] : memref<4x128xi32, #tpu.memory_space<vmem>> -> memref<1x128xi32, #tpu.memory_space<vmem>>
    %get3A_471 = tpu.memref_squeeze %get3A_470 : memref<1x128xi32, #tpu.memory_space<vmem>> -> memref<128xi32, #tpu.memory_space<vmem>>
    %get3A_472 = arith.constant 32 : index
    %get3A_473 = tpu.vector_load %get3A_471[%get3A_472] {strides = array<i32>} : memref<128xi32, #tpu.memory_space<vmem>>, vector<16xi32>,
    %get3A_474 = vector.shape_cast %get3A_473 : vector<16xi32> to vector<16xi32>
    %shift_right_logical3A_475 = arith.constant 1 : i32
    %shift_right_logical3A_476 = vector.broadcast %shift_right_logical3A_475 : i32 to vector<16xi32>
    %shift_right_logical3A_477 = arith.shrui %get3A_474, %shift_right_logical3A_476 : vector<16xi32>
    %swap3A_478 = arith.constant 3 : i32
    %swap3A_479 = arith.constant 0 : i32
    %swap3A_480 = tpu.memref_slice %arg6[%swap3A_478, %swap3A_479] : memref<4x128xi32, #tpu.memory_space<vmem>> -> memref<1x128xi32, #tpu.memory_space<vmem>>
    %swap3A_481 = tpu.memref_squeeze %swap3A_480 : memref<1x128xi32, #tpu.memory_space<vmem>> -> memref<128xi32, #tpu.memory_space<vmem>>
    %swap3A_482 = arith.constant 32 : index
    %swap3A_483 = tpu.vector_load %swap3A_481[%swap3A_482] {strides = array<i32>} : memref<128xi32, #tpu.memory_space<vmem>>, vector<16xi32>,
    %swap3A_484 = vector.shape_cast %swap3A_483 : vector<16xi32> to vector<16xi32>
    %swap3A_485 = vector.shape_cast %shift_right_logical3A_477 : vector<16xi32> to vector<16xi32>
    tpu.vector_store %swap3A_481[%swap3A_482], %swap3A_485 {strides = array<i32>} : memref<128xi32, #tpu.memory_space<vmem>>, vector<16xi32>,
    %get3A_486 = arith.constant 3 : i32
    %get3A_487 = arith.constant 0 : i32
    %get3A_488 = tpu.memref_slice %arg5[%get3A_486, %get3A_487] : memref<4x128xi32, #tpu.memory_space<vmem>> -> memref<1x128xi32, #tpu.memory_space<vmem>>
    %get3A_489 = tpu.memref_squeeze %get3A_488 : memref<1x128xi32, #tpu.memory_space<vmem>> -> memref<128xi32, #tpu.memory_space<vmem>>
    %get3A_490 = arith.constant 48 : index
    %get3A_491 = tpu.vector_load %get3A_489[%get3A_490] {strides = array<i32>} : memref<128xi32, #tpu.memory_space<vmem>>, vector<16xi32>,
    %get3A_492 = vector.shape_cast %get3A_491 : vector<16xi32> to vector<16xi32>
    %shift_right_logical3A_493 = arith.constant 1 : i32
    %shift_right_logical3A_494 = vector.broadcast %shift_right_logical3A_493 : i32 to vector<16xi32>
    %shift_right_logical3A_495 = arith.shrui %get3A_492, %shift_right_logical3A_494 : vector<16xi32>
    %swap3A_496 = arith.constant 3 : i32
    %swap3A_497 = arith.constant 0 : i32
    %swap3A_498 = tpu.memref_slice %arg6[%swap3A_496, %swap3A_497] : memref<4x128xi32, #tpu.memory_space<vmem>> -> memref<1x128xi32, #tpu.memory_space<vmem>>
    %swap3A_499 = tpu.memref_squeeze %swap3A_498 : memref<1x128xi32, #tpu.memory_space<vmem>> -> memref<128xi32, #tpu.memory_space<vmem>>
    %swap3A_500 = arith.constant 48 : index
    %swap3A_501 = tpu.vector_load %swap3A_499[%swap3A_500] {strides = array<i32>} : memref<128xi32, #tpu.memory_space<vmem>>, vector<16xi32>,
    %swap3A_502 = vector.shape_cast %swap3A_501 : vector<16xi32> to vector<16xi32>
    %swap3A_503 = vector.shape_cast %shift_right_logical3A_495 : vector<16xi32> to vector<16xi32>
    tpu.vector_store %swap3A_499[%swap3A_500], %swap3A_503 {strides = array<i32>} : memref<128xi32, #tpu.memory_space<vmem>>, vector<16xi32>,
    %get3A_504 = arith.constant 3 : i32
    %get3A_505 = arith.constant 0 : i32
    %get3A_506 = tpu.memref_slice %arg5[%get3A_504, %get3A_505] : memref<4x128xi32, #tpu.memory_space<vmem>> -> memref<1x128xi32, #tpu.memory_space<vmem>>
    %get3A_507 = tpu.memref_squeeze %get3A_506 : memref<1x128xi32, #tpu.memory_space<vmem>> -> memref<128xi32, #tpu.memory_space<vmem>>
    %get3A_508 = arith.constant 64 : index
    %get3A_509 = tpu.vector_load %get3A_507[%get3A_508] {strides = array<i32>} : memref<128xi32, #tpu.memory_space<vmem>>, vector<16xi32>,
    %get3A_510 = vector.shape_cast %get3A_509 : vector<16xi32> to vector<16xi32>
    %shift_right_logical3A_511 = arith.constant 1 : i32
    %shift_right_logical3A_512 = vector.broadcast %shift_right_logical3A_511 : i32 to vector<16xi32>
    %shift_right_logical3A_513 = arith.shrui %get3A_510, %shift_right_logical3A_512 : vector<16xi32>
    %swap3A_514 = arith.constant 3 : i32
    %swap3A_515 = arith.constant 0 : i32
    %swap3A_516 = tpu.memref_slice %arg6[%swap3A_514, %swap3A_515] : memref<4x128xi32, #tpu.memory_space<vmem>> -> memref<1x128xi32, #tpu.memory_space<vmem>>
    %swap3A_517 = tpu.memref_squeeze %swap3A_516 : memref<1x128xi32, #tpu.memory_space<vmem>> -> memref<128xi32, #tpu.memory_space<vmem>>
    %swap3A_518 = arith.constant 64 : index
    %swap3A_519 = tpu.vector_load %swap3A_517[%swap3A_518] {strides = array<i32>} : memref<128xi32, #tpu.memory_space<vmem>>, vector<16xi32>,
    %swap3A_520 = vector.shape_cast %swap3A_519 : vector<16xi32> to vector<16xi32>
    %swap3A_521 = vector.shape_cast %shift_right_logical3A_513 : vector<16xi32> to vector<16xi32>
    tpu.vector_store %swap3A_517[%swap3A_518], %swap3A_521 {strides = array<i32>} : memref<128xi32, #tpu.memory_space<vmem>>, vector<16xi32>,
    %get3A_522 = arith.constant 3 : i32
    %get3A_523 = arith.constant 0 : i32
    %get3A_524 = tpu.memref_slice %arg5[%get3A_522, %get3A_523] : memref<4x128xi32, #tpu.memory_space<vmem>> -> memref<1x128xi32, #tpu.memory_space<vmem>>
    %get3A_525 = tpu.memref_squeeze %get3A_524 : memref<1x128xi32, #tpu.memory_space<vmem>> -> memref<128xi32, #tpu.memory_space<vmem>>
    %get3A_526 = arith.constant 80 : index
    %get3A_527 = tpu.vector_load %get3A_525[%get3A_526] {strides = array<i32>} : memref<128xi32, #tpu.memory_space<vmem>>, vector<16xi32>,
    %get3A_528 = vector.shape_cast %get3A_527 : vector<16xi32> to vector<16xi32>
    %shift_right_logical3A_529 = arith.constant 1 : i32
    %shift_right_logical3A_530 = vector.broadcast %shift_right_logical3A_529 : i32 to vector<16xi32>
    %shift_right_logical3A_531 = arith.shrui %get3A_528, %shift_right_logical3A_530 : vector<16xi32>
    %swap3A_532 = arith.constant 3 : i32
    %swap3A_533 = arith.constant 0 : i32
    %swap3A_534 = tpu.memref_slice %arg6[%swap3A_532, %swap3A_533] : memref<4x128xi32, #tpu.memory_space<vmem>> -> memref<1x128xi32, #tpu.memory_space<vmem>>
    %swap3A_535 = tpu.memref_squeeze %swap3A_534 : memref<1x128xi32, #tpu.memory_space<vmem>> -> memref<128xi32, #tpu.memory_space<vmem>>
    %swap3A_536 = arith.constant 80 : index
    %swap3A_537 = tpu.vector_load %swap3A_535[%swap3A_536] {strides = array<i32>} : memref<128xi32, #tpu.memory_space<vmem>>, vector<16xi32>,
    %swap3A_538 = vector.shape_cast %swap3A_537 : vector<16xi32> to vector<16xi32>
    %swap3A_539 = vector.shape_cast %shift_right_logical3A_531 : vector<16xi32> to vector<16xi32>
    tpu.vector_store %swap3A_535[%swap3A_536], %swap3A_539 {strides = array<i32>} : memref<128xi32, #tpu.memory_space<vmem>>, vector<16xi32>,
    %get3A_540 = arith.constant 3 : i32
    %get3A_541 = arith.constant 0 : i32
    %get3A_542 = tpu.memref_slice %arg5[%get3A_540, %get3A_541] : memref<4x128xi32, #tpu.memory_space<vmem>> -> memref<1x128xi32, #tpu.memory_space<vmem>>
    %get3A_543 = tpu.memref_squeeze %get3A_542 : memref<1x128xi32, #tpu.memory_space<vmem>> -> memref<128xi32, #tpu.memory_space<vmem>>
    %get3A_544 = arith.constant 96 : index
    %get3A_545 = tpu.vector_load %get3A_543[%get3A_544] {strides = array<i32>} : memref<128xi32, #tpu.memory_space<vmem>>, vector<16xi32>,
    %get3A_546 = vector.shape_cast %get3A_545 : vector<16xi32> to vector<16xi32>
    %shift_right_logical3A_547 = arith.constant 1 : i32
    %shift_right_logical3A_548 = vector.broadcast %shift_right_logical3A_547 : i32 to vector<16xi32>
    %shift_right_logical3A_549 = arith.shrui %get3A_546, %shift_right_logical3A_548 : vector<16xi32>
    %swap3A_550 = arith.constant 3 : i32
    %swap3A_551 = arith.constant 0 : i32
    %swap3A_552 = tpu.memref_slice %arg6[%swap3A_550, %swap3A_551] : memref<4x128xi32, #tpu.memory_space<vmem>> -> memref<1x128xi32, #tpu.memory_space<vmem>>
    %swap3A_553 = tpu.memref_squeeze %swap3A_552 : memref<1x128xi32, #tpu.memory_space<vmem>> -> memref<128xi32, #tpu.memory_space<vmem>>
    %swap3A_554 = arith.constant 96 : index
    %swap3A_555 = tpu.vector_load %swap3A_553[%swap3A_554] {strides = array<i32>} : memref<128xi32, #tpu.memory_space<vmem>>, vector<16xi32>,
    %swap3A_556 = vector.shape_cast %swap3A_555 : vector<16xi32> to vector<16xi32>
    %swap3A_557 = vector.shape_cast %shift_right_logical3A_549 : vector<16xi32> to vector<16xi32>
    tpu.vector_store %swap3A_553[%swap3A_554], %swap3A_557 {strides = array<i32>} : memref<128xi32, #tpu.memory_space<vmem>>, vector<16xi32>,
    %get3A_558 = arith.constant 3 : i32
    %get3A_559 = arith.constant 0 : i32
    %get3A_560 = tpu.memref_slice %arg5[%get3A_558, %get3A_559] : memref<4x128xi32, #tpu.memory_space<vmem>> -> memref<1x128xi32, #tpu.memory_space<vmem>>
    %get3A_561 = tpu.memref_squeeze %get3A_560 : memref<1x128xi32, #tpu.memory_space<vmem>> -> memref<128xi32, #tpu.memory_space<vmem>>
    %get3A_562 = arith.constant 112 : index
    %get3A_563 = tpu.vector_load %get3A_561[%get3A_562] {strides = array<i32>} : memref<128xi32, #tpu.memory_space<vmem>>, vector<16xi32>,
    %get3A_564 = vector.shape_cast %get3A_563 : vector<16xi32> to vector<16xi32>
    %shift_right_logical3A_565 = arith.constant 1 : i32
    %shift_right_logical3A_566 = vector.broadcast %shift_right_logical3A_565 : i32 to vector<16xi32>
    %shift_right_logical3A_567 = arith.shrui %get3A_564, %shift_right_logical3A_566 : vector<16xi32>
    %swap3A_568 = arith.constant 3 : i32
    %swap3A_569 = arith.constant 0 : i32
    %swap3A_570 = tpu.memref_slice %arg6[%swap3A_568, %swap3A_569] : memref<4x128xi32, #tpu.memory_space<vmem>> -> memref<1x128xi32, #tpu.memory_space<vmem>>
    %swap3A_571 = tpu.memref_squeeze %swap3A_570 : memref<1x128xi32, #tpu.memory_space<vmem>> -> memref<128xi32, #tpu.memory_space<vmem>>
    %swap3A_572 = arith.constant 112 : index
    %swap3A_573 = tpu.vector_load %swap3A_571[%swap3A_572] {strides = array<i32>} : memref<128xi32, #tpu.memory_space<vmem>>, vector<16xi32>,
    %swap3A_574 = vector.shape_cast %swap3A_573 : vector<16xi32> to vector<16xi32>
    %swap3A_575 = vector.shape_cast %shift_right_logical3A_567 : vector<16xi32> to vector<16xi32>
    tpu.vector_store %swap3A_571[%swap3A_572], %swap3A_575 {strides = array<i32>} : memref<128xi32, #tpu.memory_space<vmem>>, vector<16xi32>,
    %dma_start3A = arith.constant 0 : i32
    %dma_start3A_576 = arith.constant 0 : i32
    %dma_start3A_577 = tpu.memref_slice %arg6[%dma_start3A, %dma_start3A_576] : memref<4x128xi32, #tpu.memory_space<vmem>> -> memref<1x128xi32, #tpu.memory_space<vmem>>
    %dma_start3A_578 = tpu.memref_squeeze %dma_start3A_577 : memref<1x128xi32, #tpu.memory_space<vmem>> -> memref<128xi32, #tpu.memory_space<vmem>>
    %dma_start3A_579 = arith.constant 0 : i32
    %dma_start3A_580 = arith.constant 0 : i32
    %dma_start3A_581 = tpu.memref_slice %arg3[%dma_start3A_579, %dma_start3A_580] : memref<500000x128xf32, #tpu.memory_space<hbm>> -> memref<500000x128xf32, #tpu.memory_space<hbm>>
    tpu.enqueue_indirect_dma source(%dma_start3A_581 : memref<500000x128xf32, #tpu.memory_space<hbm>>) target(%arg7 : memref<128x128xf32, #tpu.memory_space<vmem>>) offsets(%dma_start3A_578 : memref<128xi32, #tpu.memory_space<vmem>>) semaphore(%arg9 : memref<!tpu.dma_semaphore, #tpu.memory_space<semaphore_mem>>)
    %dma_wait3A = arith.constant 0 : i32
    %dma_wait3A_582 = arith.constant 0 : i32
    %dma_wait3A_583 = tpu.memref_slice %arg6[%dma_wait3A, %dma_wait3A_582] : memref<4x128xi32, #tpu.memory_space<vmem>> -> memref<1x128xi32, #tpu.memory_space<vmem>>
    %dma_wait3A_584 = tpu.memref_squeeze %dma_wait3A_583 : memref<1x128xi32, #tpu.memory_space<vmem>> -> memref<128xi32, #tpu.memory_space<vmem>>
    %dma_wait3A_585 = arith.constant 0 : i32
    %dma_wait3A_586 = arith.constant 0 : i32
    %dma_wait3A_587 = tpu.memref_slice %arg3[%dma_wait3A_585, %dma_wait3A_586] : memref<500000x128xf32, #tpu.memory_space<hbm>> -> memref<500000x128xf32, #tpu.memory_space<hbm>>
    tpu.wait_indirect_dma semaphore(%arg9 : memref<!tpu.dma_semaphore, #tpu.memory_space<semaphore_mem>>) src(%dma_wait3A_587 : memref<500000x128xf32, #tpu.memory_space<hbm>>) dst(%arg7 : memref<128x128xf32, #tpu.memory_space<vmem>>)
    %dma_start3A_588 = arith.constant 1 : i32
    %dma_start3A_589 = arith.constant 0 : i32
    %dma_start3A_590 = tpu.memref_slice %arg6[%dma_start3A_588, %dma_start3A_589] : memref<4x128xi32, #tpu.memory_space<vmem>> -> memref<1x128xi32, #tpu.memory_space<vmem>>
    %dma_start3A_591 = tpu.memref_squeeze %dma_start3A_590 : memref<1x128xi32, #tpu.memory_space<vmem>> -> memref<128xi32, #tpu.memory_space<vmem>>
    %dma_start3A_592 = arith.constant 0 : i32
    %dma_start3A_593 = arith.constant 0 : i32
    %dma_start3A_594 = tpu.memref_slice %arg3[%dma_start3A_592, %dma_start3A_593] : memref<500000x128xf32, #tpu.memory_space<hbm>> -> memref<500000x128xf32, #tpu.memory_space<hbm>>
    tpu.enqueue_indirect_dma source(%dma_start3A_594 : memref<500000x128xf32, #tpu.memory_space<hbm>>) target(%arg8 : memref<128x128xf32, #tpu.memory_space<vmem>>) offsets(%dma_start3A_591 : memref<128xi32, #tpu.memory_space<vmem>>) semaphore(%arg10 : memref<!tpu.dma_semaphore, #tpu.memory_space<semaphore_mem>>)
    %add3A_595 = arith.constant 0 : i32
    %add3A_596 = arith.addi %mul3A_2, %add3A_595 : i32
    "tpu.region"() ({
      %run_scoped3A = tpu.sem_alloc : memref<!tpu.dma_semaphore, #tpu.memory_space<semaphore_mem>>
      %dma_start3A_638 = arith.constant 0 : i32
      %dma_start3A_639 = tpu.memref_slice %arg4[%add3A_596, %dma_start3A_638] : memref<16384x128xf32, #tpu.memory_space<hbm>> -> memref<128x128xf32, #tpu.memory_space<hbm>>
      %dma_start3A_640 = arith.constant 0 : i32
      %dma_start3A_641 = tpu.memref_slice %arg4[%add3A_596, %dma_start3A_640] : memref<16384x128xf32, #tpu.memory_space<hbm>> -> memref<128x128xf32, #tpu.memory_space<hbm>>
      tpu.enqueue_dma source(%arg7 : memref<128x128xf32, #tpu.memory_space<vmem>>) target(%dma_start3A_641 : memref<128x128xf32, #tpu.memory_space<hbm>>) target_semaphore(%run_scoped3A : memref<!tpu.dma_semaphore, #tpu.memory_space<semaphore_mem>>)
      %dma_wait3A_642 = arith.constant 0 : i32
      %dma_wait3A_643 = tpu.memref_slice %arg4[%add3A_596, %dma_wait3A_642] : memref<16384x128xf32, #tpu.memory_space<hbm>> -> memref<128x128xf32, #tpu.memory_space<hbm>>
      %dma_wait3A_644 = arith.constant 0 : i32
      %dma_wait3A_645 = tpu.memref_slice %arg4[%add3A_596, %dma_wait3A_644] : memref<16384x128xf32, #tpu.memory_space<hbm>> -> memref<128x128xf32, #tpu.memory_space<hbm>>
      tpu.wait_dma2 semaphore(%run_scoped3A : memref<!tpu.dma_semaphore, #tpu.memory_space<semaphore_mem>>) src(%arg7 : memref<128x128xf32, #tpu.memory_space<vmem>>) dst(%dma_wait3A_645 : memref<128x128xf32, #tpu.memory_space<hbm>>)
      tpu.yield
    }) : () -> ()
    %dma_wait3A_597 = arith.constant 1 : i32
    %dma_wait3A_598 = arith.constant 0 : i32
    %dma_wait3A_599 = tpu.memref_slice %arg6[%dma_wait3A_597, %dma_wait3A_598] : memref<4x128xi32, #tpu.memory_space<vmem>> -> memref<1x128xi32, #tpu.memory_space<vmem>>
    %dma_wait3A_600 = tpu.memref_squeeze %dma_wait3A_599 : memref<1x128xi32, #tpu.memory_space<vmem>> -> memref<128xi32, #tpu.memory_space<vmem>>
    %dma_wait3A_601 = arith.constant 0 : i32
    %dma_wait3A_602 = arith.constant 0 : i32
    %dma_wait3A_603 = tpu.memref_slice %arg3[%dma_wait3A_601, %dma_wait3A_602] : memref<500000x128xf32, #tpu.memory_space<hbm>> -> memref<500000x128xf32, #tpu.memory_space<hbm>>
    tpu.wait_indirect_dma semaphore(%arg10 : memref<!tpu.dma_semaphore, #tpu.memory_space<semaphore_mem>>) src(%dma_wait3A_603 : memref<500000x128xf32, #tpu.memory_space<hbm>>) dst(%arg8 : memref<128x128xf32, #tpu.memory_space<vmem>>)
    %dma_start3A_604 = arith.constant 2 : i32
    %dma_start3A_605 = arith.constant 0 : i32
    %dma_start3A_606 = tpu.memref_slice %arg6[%dma_start3A_604, %dma_start3A_605] : memref<4x128xi32, #tpu.memory_space<vmem>> -> memref<1x128xi32, #tpu.memory_space<vmem>>
    %dma_start3A_607 = tpu.memref_squeeze %dma_start3A_606 : memref<1x128xi32, #tpu.memory_space<vmem>> -> memref<128xi32, #tpu.memory_space<vmem>>
    %dma_start3A_608 = arith.constant 0 : i32
    %dma_start3A_609 = arith.constant 0 : i32
    %dma_start3A_610 = tpu.memref_slice %arg3[%dma_start3A_608, %dma_start3A_609] : memref<500000x128xf32, #tpu.memory_space<hbm>> -> memref<500000x128xf32, #tpu.memory_space<hbm>>
    tpu.enqueue_indirect_dma source(%dma_start3A_610 : memref<500000x128xf32, #tpu.memory_space<hbm>>) target(%arg7 : memref<128x128xf32, #tpu.memory_space<vmem>>) offsets(%dma_start3A_607 : memref<128xi32, #tpu.memory_space<vmem>>) semaphore(%arg9 : memref<!tpu.dma_semaphore, #tpu.memory_space<semaphore_mem>>)
    %add3A_611 = arith.constant 128 : i32
    %add3A_612 = arith.addi %mul3A_2, %add3A_611 : i32
    "tpu.region"() ({
      %run_scoped3A = tpu.sem_alloc : memref<!tpu.dma_semaphore, #tpu.memory_space<semaphore_mem>>
      %dma_start3A_638 = arith.constant 0 : i32
      %dma_start3A_639 = tpu.memref_slice %arg4[%add3A_612, %dma_start3A_638] : memref<16384x128xf32, #tpu.memory_space<hbm>> -> memref<128x128xf32, #tpu.memory_space<hbm>>
      %dma_start3A_640 = arith.constant 0 : i32
      %dma_start3A_641 = tpu.memref_slice %arg4[%add3A_612, %dma_start3A_640] : memref<16384x128xf32, #tpu.memory_space<hbm>> -> memref<128x128xf32, #tpu.memory_space<hbm>>
      tpu.enqueue_dma source(%arg8 : memref<128x128xf32, #tpu.memory_space<vmem>>) target(%dma_start3A_641 : memref<128x128xf32, #tpu.memory_space<hbm>>) target_semaphore(%run_scoped3A : memref<!tpu.dma_semaphore, #tpu.memory_space<semaphore_mem>>)
      %dma_wait3A_642 = arith.constant 0 : i32
      %dma_wait3A_643 = tpu.memref_slice %arg4[%add3A_612, %dma_wait3A_642] : memref<16384x128xf32, #tpu.memory_space<hbm>> -> memref<128x128xf32, #tpu.memory_space<hbm>>
      %dma_wait3A_644 = arith.constant 0 : i32
      %dma_wait3A_645 = tpu.memref_slice %arg4[%add3A_612, %dma_wait3A_644] : memref<16384x128xf32, #tpu.memory_space<hbm>> -> memref<128x128xf32, #tpu.memory_space<hbm>>
      tpu.wait_dma2 semaphore(%run_scoped3A : memref<!tpu.dma_semaphore, #tpu.memory_space<semaphore_mem>>) src(%arg8 : memref<128x128xf32, #tpu.memory_space<vmem>>) dst(%dma_wait3A_645 : memref<128x128xf32, #tpu.memory_space<hbm>>)
      tpu.yield
    }) : () -> ()
    %dma_wait3A_613 = arith.constant 2 : i32
    %dma_wait3A_614 = arith.constant 0 : i32
    %dma_wait3A_615 = tpu.memref_slice %arg6[%dma_wait3A_613, %dma_wait3A_614] : memref<4x128xi32, #tpu.memory_space<vmem>> -> memref<1x128xi32, #tpu.memory_space<vmem>>
    %dma_wait3A_616 = tpu.memref_squeeze %dma_wait3A_615 : memref<1x128xi32, #tpu.memory_space<vmem>> -> memref<128xi32, #tpu.memory_space<vmem>>
    %dma_wait3A_617 = arith.constant 0 : i32
    %dma_wait3A_618 = arith.constant 0 : i32
    %dma_wait3A_619 = tpu.memref_slice %arg3[%dma_wait3A_617, %dma_wait3A_618] : memref<500000x128xf32, #tpu.memory_space<hbm>> -> memref<500000x128xf32, #tpu.memory_space<hbm>>
    tpu.wait_indirect_dma semaphore(%arg9 : memref<!tpu.dma_semaphore, #tpu.memory_space<semaphore_mem>>) src(%dma_wait3A_619 : memref<500000x128xf32, #tpu.memory_space<hbm>>) dst(%arg7 : memref<128x128xf32, #tpu.memory_space<vmem>>)
    %dma_start3A_620 = arith.constant 3 : i32
    %dma_start3A_621 = arith.constant 0 : i32
    %dma_start3A_622 = tpu.memref_slice %arg6[%dma_start3A_620, %dma_start3A_621] : memref<4x128xi32, #tpu.memory_space<vmem>> -> memref<1x128xi32, #tpu.memory_space<vmem>>
    %dma_start3A_623 = tpu.memref_squeeze %dma_start3A_622 : memref<1x128xi32, #tpu.memory_space<vmem>> -> memref<128xi32, #tpu.memory_space<vmem>>
    %dma_start3A_624 = arith.constant 0 : i32
    %dma_start3A_625 = arith.constant 0 : i32
    %dma_start3A_626 = tpu.memref_slice %arg3[%dma_start3A_624, %dma_start3A_625] : memref<500000x128xf32, #tpu.memory_space<hbm>> -> memref<500000x128xf32, #tpu.memory_space<hbm>>
    tpu.enqueue_indirect_dma source(%dma_start3A_626 : memref<500000x128xf32, #tpu.memory_space<hbm>>) target(%arg8 : memref<128x128xf32, #tpu.memory_space<vmem>>) offsets(%dma_start3A_623 : memref<128xi32, #tpu.memory_space<vmem>>) semaphore(%arg10 : memref<!tpu.dma_semaphore, #tpu.memory_space<semaphore_mem>>)
    %add3A_627 = arith.constant 256 : i32
    %add3A_628 = arith.addi %mul3A_2, %add3A_627 : i32
    "tpu.region"() ({
      %run_scoped3A = tpu.sem_alloc : memref<!tpu.dma_semaphore, #tpu.memory_space<semaphore_mem>>
      %dma_start3A_638 = arith.constant 0 : i32
      %dma_start3A_639 = tpu.memref_slice %arg4[%add3A_628, %dma_start3A_638] : memref<16384x128xf32, #tpu.memory_space<hbm>> -> memref<128x128xf32, #tpu.memory_space<hbm>>
      %dma_start3A_640 = arith.constant 0 : i32
      %dma_start3A_641 = tpu.memref_slice %arg4[%add3A_628, %dma_start3A_640] : memref<16384x128xf32, #tpu.memory_space<hbm>> -> memref<128x128xf32, #tpu.memory_space<hbm>>
      tpu.enqueue_dma source(%arg7 : memref<128x128xf32, #tpu.memory_space<vmem>>) target(%dma_start3A_641 : memref<128x128xf32, #tpu.memory_space<hbm>>) target_semaphore(%run_scoped3A : memref<!tpu.dma_semaphore, #tpu.memory_space<semaphore_mem>>)
      %dma_wait3A_642 = arith.constant 0 : i32
      %dma_wait3A_643 = tpu.memref_slice %arg4[%add3A_628, %dma_wait3A_642] : memref<16384x128xf32, #tpu.memory_space<hbm>> -> memref<128x128xf32, #tpu.memory_space<hbm>>
      %dma_wait3A_644 = arith.constant 0 : i32
      %dma_wait3A_645 = tpu.memref_slice %arg4[%add3A_628, %dma_wait3A_644] : memref<16384x128xf32, #tpu.memory_space<hbm>> -> memref<128x128xf32, #tpu.memory_space<hbm>>
      tpu.wait_dma2 semaphore(%run_scoped3A : memref<!tpu.dma_semaphore, #tpu.memory_space<semaphore_mem>>) src(%arg7 : memref<128x128xf32, #tpu.memory_space<vmem>>) dst(%dma_wait3A_645 : memref<128x128xf32, #tpu.memory_space<hbm>>)
      tpu.yield
    }) : () -> ()
    %dma_wait3A_629 = arith.constant 3 : i32
    %dma_wait3A_630 = arith.constant 0 : i32
    %dma_wait3A_631 = tpu.memref_slice %arg6[%dma_wait3A_629, %dma_wait3A_630] : memref<4x128xi32, #tpu.memory_space<vmem>> -> memref<1x128xi32, #tpu.memory_space<vmem>>
    %dma_wait3A_632 = tpu.memref_squeeze %dma_wait3A_631 : memref<1x128xi32, #tpu.memory_space<vmem>> -> memref<128xi32, #tpu.memory_space<vmem>>
    %dma_wait3A_633 = arith.constant 0 : i32
    %dma_wait3A_634 = arith.constant 0 : i32
    %dma_wait3A_635 = tpu.memref_slice %arg3[%dma_wait3A_633, %dma_wait3A_634] : memref<500000x128xf32, #tpu.memory_space<hbm>> -> memref<500000x128xf32, #tpu.memory_space<hbm>>
    tpu.wait_indirect_dma semaphore(%arg10 : memref<!tpu.dma_semaphore, #tpu.memory_space<semaphore_mem>>) src(%dma_wait3A_635 : memref<500000x128xf32, #tpu.memory_space<hbm>>) dst(%arg8 : memref<128x128xf32, #tpu.memory_space<vmem>>)
    %add3A_636 = arith.constant 384 : i32
    %add3A_637 = arith.addi %mul3A_2, %add3A_636 : i32
    "tpu.region"() ({
      %run_scoped3A = tpu.sem_alloc : memref<!tpu.dma_semaphore, #tpu.memory_space<semaphore_mem>>
      %dma_start3A_638 = arith.constant 0 : i32
      %dma_start3A_639 = tpu.memref_slice %arg4[%add3A_637, %dma_start3A_638] : memref<16384x128xf32, #tpu.memory_space<hbm>> -> memref<128x128xf32, #tpu.memory_space<hbm>>
      %dma_start3A_640 = arith.constant 0 : i32
      %dma_start3A_641 = tpu.memref_slice %arg4[%add3A_637, %dma_start3A_640] : memref<16384x128xf32, #tpu.memory_space<hbm>> -> memref<128x128xf32, #tpu.memory_space<hbm>>
      tpu.enqueue_dma source(%arg8 : memref<128x128xf32, #tpu.memory_space<vmem>>) target(%dma_start3A_641 : memref<128x128xf32, #tpu.memory_space<hbm>>) target_semaphore(%run_scoped3A : memref<!tpu.dma_semaphore, #tpu.memory_space<semaphore_mem>>)
      %dma_wait3A_642 = arith.constant 0 : i32
      %dma_wait3A_643 = tpu.memref_slice %arg4[%add3A_637, %dma_wait3A_642] : memref<16384x128xf32, #tpu.memory_space<hbm>> -> memref<128x128xf32, #tpu.memory_space<hbm>>
      %dma_wait3A_644 = arith.constant 0 : i32
      %dma_wait3A_645 = tpu.memref_slice %arg4[%add3A_637, %dma_wait3A_644] : memref<16384x128xf32, #tpu.memory_space<hbm>> -> memref<128x128xf32, #tpu.memory_space<hbm>>
      tpu.wait_dma2 semaphore(%run_scoped3A : memref<!tpu.dma_semaphore, #tpu.memory_space<semaphore_mem>>) src(%arg8 : memref<128x128xf32, #tpu.memory_space<vmem>>) dst(%dma_wait3A_645 : memref<128x128xf32, #tpu.memory_space<hbm>>)
      tpu.yield
    }) : () -> ()
    return
  }
}

module attributes {stable_mosaic.version = 14 : i64} {
  func.func @_tc_select_kernel(%arg0: i32, %arg1: memref<2048x1xi32, #tpu.memory_space<vmem>>, %arg2: memref<2048x128xf32, #tpu.memory_space<vmem>>, %arg3: memref<2048x64xf32, #tpu.memory_space<vmem>>) attributes {dimension_semantics = [#tpu.dimension_semantics<arbitrary>], iteration_bounds = array<i64: 8>, scalar_prefetch = 0 : i64, scratch_operands = 0 : i64, tpu.core_type = #tpu.core_type<tc>, window_params = [{transform_indices = @transform_0, window_bounds = array<i64: 2048, 1>}, {transform_indices = @transform_1, window_bounds = array<i64: 2048, 128>}, {transform_indices = @transform_2, window_bounds = array<i64: 2048, 64>}]} {
    %get3A = arith.constant 0 : index
    %get3A_0 = arith.constant 0 : index
    %get3A_1 = vector.load %arg1[%get3A, %get3A_0] : memref<2048x1xi32, #tpu.memory_space<vmem>>, vector<2048x1xi32>
    %and3A = arith.constant 1 : i32
    %and3A_2 = vector.broadcast %and3A : i32 to vector<2048x1xi32>
    %and3A_3 = arith.andi %get3A_1, %and3A_2 : vector<2048x1xi32>
    %convert_element_type3A = arith.sitofp %and3A_3 : vector<2048x1xi32> to vector<2048x1xf32>
    %get3A_4 = arith.constant 0 : index
    %get3A_5 = arith.constant 0 : index
    %get3A_6 = vector.load %arg2[%get3A_4, %get3A_5] : memref<2048x128xf32, #tpu.memory_space<vmem>>, vector<2048x128xf32>
    %slice3A = vector.extract_strided_slice %get3A_6 {offsets = [0, 0], sizes = [2048, 64], strides = [1, 1]} : vector<2048x128xf32> to vector<2048x64xf32>
    %slice3A_7 = vector.extract_strided_slice %get3A_6 {offsets = [0, 64], sizes = [2048, 64], strides = [1, 1]} : vector<2048x128xf32> to vector<2048x64xf32>
    %sub3A = arith.subf %slice3A_7, %slice3A : vector<2048x64xf32>
    %mul3A = vector.broadcast %convert_element_type3A : vector<2048x1xf32> to vector<2048x64xf32>
    %mul3A_8 = arith.mulf %sub3A, %mul3A : vector<2048x64xf32>
    %add3A = arith.addf %slice3A, %mul3A_8 : vector<2048x64xf32>
    %swap3A = arith.constant 0 : index
    %swap3A_9 = arith.constant 0 : index
    %swap3A_10 = vector.load %arg3[%swap3A, %swap3A_9] : memref<2048x64xf32, #tpu.memory_space<vmem>>, vector<2048x64xf32>
    tpu.vector_store %arg3[%swap3A, %swap3A_9], %add3A {strides = array<i32>} : memref<2048x64xf32, #tpu.memory_space<vmem>>, vector<2048x64xf32>,
    return
  }
  func.func @transform_0(%arg0: i32) -> (i32, i32) {
    %c0_i32 = arith.constant 0 : i32
    %c0_i32_0 = arith.constant 0 : i32
    return %arg0, %c0_i32 : i32, i32
  }
  func.func @transform_1(%arg0: i32) -> (i32, i32) {
    %c0_i32 = arith.constant 0 : i32
    %c0_i32_0 = arith.constant 0 : i32
    return %arg0, %c0_i32 : i32, i32
  }
  func.func @transform_2(%arg0: i32) -> (i32, i32) {
    %c0_i32 = arith.constant 0 : i32
    %c0_i32_0 = arith.constant 0 : i32
    return %arg0, %c0_i32 : i32, i32
  }
}

</mosaic_0001>

<sc_bundles>
// kernel: kernel.4.cloned.1.call-start
scs
__scs_entry_jumppad:
0x0: {  	(pc) =	sbr.rel $0x88, $3  }
0x1: {  	(tag) =	ssettag $0x0;
	lr =	simm.s32 $0x1  }
0x2: {  	[smem:$0x3F9F] =	sst lr;
	_ =	strace $0xD0000000  }
0x3: {  	_ = 	snop  }
0x4: {  	_ = 	snop  }
0x5: {  	_ = 	snop  }
0x6: {  	_ = 	snop  }
0x7: {  	_ = 	snop  }
__scs_overlays_trampoline_lowered:
0x8: {  	[smem:$0x3FAE] =	sst s0  }
0x9: {  	[smem:$0x3FAF] =	sst s1  }
0xa: {  	[smem:$0x3FB0] =	sst s2  }
0xb: {  	[smem:$0x3FB1] =	sst s3  }
0xc: {  	[smem:$0x3FB2] =	sst s4  }
0xd: {  	[smem:$0x3FB3] =	sst s5  }
0xe: {  	[smem:$0x3FB4] =	sst s6  }
0xf: {  	[smem:$0x3FB5] =	sst s7  }
0x10: {  	[smem:$0x3FB6] =	sst s8  }
0x11: {  	[smem:$0x3FB7] =	sst s9;
	s0 =	simm.s32 @!p0 $0x0  }
0x12: {  	s1 =	sld [smem:$0x3F9D];
	s0 =	simm.s32 @p0 $0x1  }
0x13: {  	[smem:$0x3FB8] =	sst s0;
	s0 =	simm.s32 @!p1 $0x0  }
0x14: {  	s2 =	sld [smem:$0x3F9C];
	s0 =	simm.s32 @p1 $0x1  }
0x15: {  	[smem:$0x3FB9] =	sst s0;
	s0 =	simm.s32 @!p2 $0x0  }
0x16: {  	s3 =	sld [smem:$0x3FDB];
	s0 =	simm.s32 @p2 $0x1  }
0x17: {  	s4 =	simm.s32 $0x1BF5;
	[smem:$0x3FBB] =	sst s0  }
0x18: {  	s0 =	sld [smem:$0x3F9E];
	_ =	swait.ge [sflag:s4], $0x0  }
0x19: {  	s7 =	sld [smem:$0x3F9F]  }
0x1a: {  	s8 =	sadd.s32 $0xFFFFE003, lr  }
0x1b: {  	s9 =	sadd.s32 $0xFFFFFEF7, lr;
	s5 =	simm.s32 $0xFFFFFFFF;
	p2 =	slt.u32 s8, $0xFFFFF086  }
0x1c: {  	p1 =	slt.u32 s9, $0xF7A;
	s5 =	simm.s32 @!p2 $0x0  }
0x1d: {  	s5 =	simm.s32 @p1 $0x1;
	p0 =	seq.s32 s7, s2  }
0x1e: {  	s7 =	smul.u32 @!p0 $0xF7A, s2;
	p2 =	seq.s32 @!p0 s5, $0x0  }
0x1f: {  	s9 =	smul.u32 $0xF7A, s1;
	s8 =	simm.s32 @!p0 $0x1BF5;
	p2 =	por !p2, p0  }
0x20: {  	[sflag:s8] =	ssyncset.s32 @!p0 $0xFFFFF086;
	s6 =	sadd.s32 @!p0 s3, s7;
	s7 =	simm.s32 @!p0 $0x108  }
0x21: {  	s3 =	sadd.s32 s3, s9;
	s6 =	sadd.s32 @!p0 $0x88, s6;
	s7 =	simm.s32 @p2 $0x1082  }
0x22: {  	[simem:s7], [sflag:s8] =	dma.local @!p0 [hbm:s6], $0xF7A  }
0x23: {  	s9 =	sor.u32 $0xD0000000, s2;
	s6 =	simm.s32 $0x108;
	_ =	swait.ge @!p0 [sflag:s8], $0x0  }
0x24: {  	s3 =	sadd.s32 $0x88, s3;
	s6 =	simm.s32 @!p1 $0x1082;
	[sflag:s4] =	ssyncset.s32 $0xFFFFF086  }
0x25: {  	[simem:s6], [sflag:s4] =	dma.local [hbm:s3], $0xF7A  }
0x26: {  	[smem:$0x3F9F] =	sst s1;
	(tag) =	ssettag s2;
	_ =	strace s9  }
0x27: {  	s1 =	sld [smem:$0x3FAF]  }
0x28: {  	s2 =	sld [smem:$0x3FB0]  }
0x29: {  	s4 =	sld [smem:$0x3FB2]  }
0x2a: {  	p0 =	seq.s32 s5, $0x0;
	s5 =	sld [smem:$0x3FB3]  }
0x2b: {  	s6 =	sld [smem:$0x3FB4]  }
0x2c: {  	s7 =	sld [smem:$0x3FB5]  }
0x2d: {  	s3 =	simm.s32 $0x108;
	s8 =	sld [smem:$0x3FB6]  }
0x2e: {  	s3 =	simm.s32 @!p0 $0x1082;
	s9 =	sld [smem:$0x3FB7]  }
0x2f: {  	lr =	sadd.s32 s0, s3;
	s0 =	sld [smem:$0x3FAE]  }
0x30: {  	s3 =	sld [smem:$0x3FB1]  }
0x31: {  	[smem:$0x3FBA] =	sst s10  }
0x32: {  	s10 =	sld [smem:$0x3FB8];
	_ =	sdelay $0x3  }
0x33: {  	p0 =	seq.s32 s10, $0x1;
	s10 =	sld [smem:$0x3FBA];
	_ =	sdelay $0x3  }
0x34: {  	[smem:$0x3FBA] =	sst s10  }
0x35: {  	s10 =	sld [smem:$0x3FB9];
	_ =	sdelay $0x3  }
0x36: {  	p1 =	seq.s32 s10, $0x1;
	s10 =	sld [smem:$0x3FBA];
	_ =	sdelay $0x3  }
0x37: {  	[smem:$0x3FBA] =	sst s10  }
0x38: {  	s10 =	sld [smem:$0x3FBB]  }
0x39: {  	_ = 	snop;
	(pc) =	sbr.ind lr, $3  }
0x3a: {  	_ = 	snop  }
0x3b: {  	_ = 	snop  }
0x3c: {  	p2 =	seq.s32 s10, $0x1;
	s10 =	sld [smem:$0x3FBA]  }
0x3d: {  	_ =	shalt  }
0x3e: {  	_ =	shalt  }
0x3f: {  	_ =	shalt  }
0x40: {  	_ =	shalt  }
0x41: {  	_ =	shalt  }
0x42: {  	_ =	shalt  }
0x43: {  	_ =	shalt  }
0x44: {  	_ =	shalt  }
0x45: {  	_ =	shalt  }
0x46: {  	_ =	shalt  }
0x47: {  	_ =	shalt  }
0x48: {  	_ =	shalt  }
0x49: {  	_ =	shalt  }
0x4a: {  	_ =	shalt  }
0x4b: {  	_ =	shalt  }
0x4c: {  	_ =	shalt  }
0x4d: {  	_ =	shalt  }
0x4e: {  	_ =	shalt  }
0x4f: {  	_ =	shalt  }
0x50: {  	_ =	shalt  }
0x51: {  	_ =	shalt  }
0x52: {  	_ =	shalt  }
0x53: {  	_ =	shalt  }
0x54: {  	_ =	shalt  }
0x55: {  	_ =	shalt  }
0x56: {  	_ =	shalt  }
0x57: {  	_ =	shalt  }
0x58: {  	_ =	shalt  }
0x59: {  	_ =	shalt  }
0x5a: {  	_ =	shalt  }
0x5b: {  	_ =	shalt  }
0x5c: {  	_ =	shalt  }
0x5d: {  	_ =	shalt  }
0x5e: {  	_ =	shalt  }
0x5f: {  	_ =	shalt  }
0x60: {  	_ =	shalt  }
0x61: {  	_ =	shalt  }
0x62: {  	_ =	shalt  }
0x63: {  	_ =	shalt  }
0x64: {  	_ =	shalt  }
0x65: {  	_ =	shalt  }
0x66: {  	_ =	shalt  }
0x67: {  	_ =	shalt  }
0x68: {  	_ =	shalt  }
0x69: {  	_ =	shalt  }
0x6a: {  	_ =	shalt  }
0x6b: {  	_ =	shalt  }
0x6c: {  	_ =	shalt  }
0x6d: {  	_ =	shalt  }
0x6e: {  	_ =	shalt  }
0x6f: {  	_ =	shalt  }
0x70: {  	_ =	shalt  }
0x71: {  	_ =	shalt  }
0x72: {  	_ =	shalt  }
0x73: {  	_ =	shalt  }
0x74: {  	_ =	shalt  }
0x75: {  	_ =	shalt  }
0x76: {  	_ =	shalt  }
0x77: {  	_ =	shalt  }
0x78: {  	_ =	shalt  }
0x79: {  	_ =	shalt  }
0x7a: {  	_ =	shalt  }
0x7b: {  	_ =	shalt  }
0x7c: {  	_ =	shalt  }
0x7d: {  	_ =	shalt  }
0x7e: {  	_ =	shalt  }
0x7f: {  	_ =	shalt  }
0x80: {  	_ =	shalt  }
0x81: {  	_ =	shalt  }
0x82: {  	_ =	shalt  }
0x83: {  	_ =	shalt  }
0x84: {  	_ =	shalt  }
0x85: {  	_ =	shalt  }
0x86: {  	_ =	shalt  }
0x87: {  	_ =	shalt  }
.Lfunc_end0:
.L_simem_size_0:
called_computation_lowered:
.L_overlay_start_0:
0x88: {  	s2 =	sld [smem:$0x3FD9]  }
0x89: {  	s3 =	sld [smem:$0x3FFE];
	_ =	sdelay $0x1  }
0x8a: {  	s1 =	srdreg.scid  }
0x8b: {  	s0 =	sand.u32 $0x1, s1  }
0x8c: {  	s17 =	sshll.u32 s0, $0xA;
	s2 =	sadd.s32 s3, s2  }
0x8d: {  	s2 =	sadd.s32 s2, s17  }
0x8e: {  	[smem:$0x3FC6] =	sst s2  }
0x8f: {  	_ = 	snop  }
0x90: {  	s2 =	sld [smem:$0x3FC9];
	(tm) =	ssettm $0x1  }
0x91: {  	s18 =	sld [smem:$0x3FFB];
	_ =	sdelay $0x3  }
0x92: {  	_ =	strace s18  }
0x93: {  	s3 =	sld [smem:$0x3FFC];
	_ =	sdelay $0x3  }
0x94: {  	_ =	strace s3  }
0x95: {  	s3 =	sld [smem:$0x3FFD];
	_ =	sdelay $0x3  }
0x96: {  	_ =	strace s3  }
0x97: {  	_ =	strace $0x8FFFFFFF  }
0x98: {  	s19 =	sld [smem:$0x3FDB];
	_ =	sdelay $0x1  }
0x99: {  	s4 =	simm.s32 $_scs_section_size  }
0x9a: {  	s5 =	simm.s32 $_size__tile_overlayer_lowered;
	s6 =	simm.s32 $_tile_overlayer_lowered  }
0x9b: {  	s22 =	simm.s32 $0x1BFF;
	s21 =	sshll.u32 s6, $0x1;
	s3 =	sadd.s32 s4, s19  }
0x9c: {  	s7 =	simm.s32 $0x0;
	s20 =	sshll.u32 s5, $0x1;
	s5 =	sadd.s32 s21, s3  }
0x9d: {  	[timem:s7], [sflag:s22] =	dma.local [hbm:s5], s20  }
0x9e: {  	_ =	swait.ge [sflag:s22], s20  }
0x9f: {  	s4 =	ssub.s32 $0x0, s20;
	[sflag:s22] =	ssyncset.done $0x0  }
0xa0: {  	[sflag:s22] =	ssyncadd.s32 s4;
	_ =	sdelay $0x1  }
0xa1: {  	s23 =	simm.s32 $0x1B8B  }
0xa2: {  	_ =	swait.ge [sflag:s23], $0x1  }
0xa3: {  	[sflag:s23] =	ssyncset.done $0x0  }
0xa4: {  	s25 =	simm.s32 $0x1B8E;
	s24 =	sld [smem:$0x3FFE];
	[sflag:s23] =	ssyncadd.s32 $0xFFFFFFFF  }
0xa5: {  	s26 =	simm.s32 $execute0_lowered;
	[smem:$0x3FD2] =	sst s25  }
0xa6: {  	s5 =	sshll.u32 s26, $0x1;
	_ =	strace $0x80000046;
	[dreg:$0x1] =	wrdreg $0xFFFFFFFF  }
0xa7: {  	s28 =	simm.s32 $_size_execute0_lowered;
	s3 =	sadd.s32 s3, s5;
	[dreg:$0x0] =	wrdreg $0x0  }
0xa8: {  	s5 =	sshll.u32 s28, $0x1;
	[dreg:$0x2] =	wrdreg s3  }
0xa9: {  	[dreg:$0x3] =	wrdreg s5  }
0xaa: {  	[dreg:$0x4] =	wrdreg $0xC0  }
0xab: {  	_ =	task [dreg:s7], $0x5FFFF  }
0xac: {  	[dreg:$0x1] =	wrdreg $0xFFFFFFFF  }
0xad: {  	[dreg:$0x0] =	wrdreg $0x60  }
0xae: {  	[dreg:$0x2] =	wrdreg s2  }
0xaf: {  	[dreg:$0x3] =	wrdreg s24  }
0xb0: {  	[dreg:$0x4] =	wrdreg $0x9  }
0xb1: {  	_ =	task.clear_ibuf [dreg:s7], $0x5FFFF;
	_ =	strace $0x90000046  }
0xb2: {  	s29 =	simm.s32 $0x9;
	_ =	strace $0x80000048  }
0xb3: {  	_ =	swait.ge [sflag:s29], $0x1  }
0xb4: {  	[sflag:s29] =	ssyncadd.s32 $0xFFFFFFFF  }
0xb5: {  	_ =	strace $0x90000048  }
0xb6: {  	_ =	sfence  }
0xb7: {  	s30 =	sld [smem:$0x0];
	_ =	sdelay $0x2  }
0xb8: {  	s31 =	sshll.u32 s1, $0xD;
	s1 =	sshrl.u32 s1, $0x2  }
0xb9: {  	s3 =	sand.u32 $0x4000, s31;
	s1 =	sadd.s32 s1, s30  }
0xba: {  	s0 =	sor.u32 s3, s0;
	s1 =	sshll.u32 s1, $0x11  }
0xbb: {  	s0 =	sor.u32 s1, s0  }
0xbc: {  	s0 =	sadd.s32 $0x8F2B, s0  }
0xbd: {  	[sflag:s0] =	ssyncadd.remote.s32 $0x1  }
0xbe: {  	_ =	sfence.sel $0xFFFF  }
0xbf: {  	[dreg:$0x0] =	wrdreg $0xFFFFFFFF;
	(pc) =	sbr.abs _section_cstart, $3  }
0xc0: {  	[dreg:$0x1] =	wrdreg $0xFFFFFFFF  }
0xc1: {  	_ =	task.clear_ibuf [dreg:s7], $0x2FFFF;
	_ =	strace $0x9FFFFFFF  }
0xc2: {  	(tm) =	ssettm $0x7FFFFFFF  }
0xc3: {  	_ =	shalt  }
tec
execute0_lowered:
.L_overlay_start_1:
0x0: {  	(tag) =	ssettag $0x1  }
0x1: {  	s1 =	srdreg.scid  }
0x2: {  	s3 =	rddreg [dreg:$0x0];
	s0 =	stileid.u32;
	s5 =	sand.u32 $0x1, s1  }
0x3: {  	s6 =	rddreg [dreg:$0x1];
	s4 =	sshll.u32 s0, $0xA;
	s7 =	sshll.u32 s5, $0x9  }
0x4: {  	s2 =	simm.s32 $0x0;
	s1 =	rddreg [dreg:$0x2];
	s7 =	sor.u32 s7, s4  }
0x5: {  	[smem:$0x7FF] =	sst s2;
	s4 =	sshrl.u32 s7, $0x3  }
0x6: {  	_ =	strace $0x80000047;
	s4 =	sadd.s32 s3, s4;
	s3 =	simm.s32 $0x3  }
0x7: {  	[tilespmem:s2], [sflag:$0x3] =	stream.linear.gather [hbm4b:s4+s2], $0x200, $0x38;
	[tilespmem:$0x8400] =	vst v63  }
0x8: {  	_ =	swait.ge [sflag:s3], $0x200  }
0x9: {  	[sflag:s3] =	ssyncset.done $0x0  }
0xa: {  	[sflag:s3] =	ssyncadd.s32 $0xFFFFFE00  }
0xb: {  	v0 =	vld [tilespmem:$0x1F0]  }
0xc: {  	v1 =	vld [tilespmem:$0x1E0]  }
0xd: {  	v2 =	vld [tilespmem:$0x130]  }
0xe: {  	v3 =	vld [tilespmem:$0x1D0]  }
0xf: {  	v4 =	vld [tilespmem:$0x1C0]  }
0x10: {  	v5 =	vld [tilespmem:$0x1B0];
	v0 =	vshrl.u32 v0, $0x1  }
0x11: {  	v6 =	vld [tilespmem:$0x190];
	v1 =	vshrl.u32 v1, $0x1;
	[tilespmem:$0x3F0] =	vst v0  }
0x12: {  	v29 =	vld [tilespmem:$0x180];
	v28 =	vshrl.u32 v2, $0x1;
	[tilespmem:$0x3E0] =	vst v1  }
0x13: {  	v32 =	vld [tilespmem:$0x160];
	v31 =	vshrl.u32 v3, $0x1;
	[tilespmem:$0x330] =	vst v28  }
0x14: {  	v35 =	vld [tilespmem:$0xB0];
	v4 =	vshrl.u32 v4, $0x1;
	[tilespmem:$0x3D0] =	vst v31  }
0x15: {  	v36 =	vld [tilespmem:$0x120];
	v5 =	vshrl.u32 v5, $0x1;
	[tilespmem:$0x3C0] =	vst v4  }
0x16: {  	v44 =	vld [tilespmem:$0x30];
	v6 =	vshrl.u32 v6, $0x1;
	[tilespmem:$0x3B0] =	vst v5  }
0x17: {  	v50 =	vld [tilespmem:$0x50];
	v2 =	vshrl.u32 v29, $0x1;
	[tilespmem:$0x390] =	vst v6  }
0x18: {  	v52 =	vld [tilespmem:$0x1A0];
	v3 =	vshrl.u32 v32, $0x1;
	[tilespmem:$0x380] =	vst v2  }
0x19: {  	v53 =	vld [tilespmem:$0x20];
	v40 =	vshrl.u32 v35, $0x1;
	[tilespmem:$0x360] =	vst v3  }
0x1a: {  	v54 =	vld [tilespmem:$0x10];
	v43 =	vshrl.u32 v36, $0x1;
	[tilespmem:$0x2B0] =	vst v40  }
0x1b: {  	v56 =	vld [tilespmem:$0xF0];
	v49 =	vshrl.u32 v44, $0x1;
	[tilespmem:$0x320] =	vst v43  }
0x1c: {  	v58 =	vld [tilespmem:$0x0];
	v55 =	vshrl.u32 v50, $0x1;
	[tilespmem:$0x230] =	vst v49  }
0x1d: {  	v30 =	vld [tilespmem:$0x170];
	v59 =	vshrl.u32 v52, $0x1;
	[tilespmem:$0x250] =	vst v55  }
0x1e: {  	v33 =	vld [tilespmem:$0x150];
	v60 =	vshrl.u32 v53, $0x1;
	[tilespmem:$0x3A0] =	vst v59  }
0x1f: {  	v34 =	vld [tilespmem:$0x140];
	v61 =	vshrl.u32 v54, $0x1;
	[tilespmem:$0x220] =	vst v60  }
0x20: {  	v37 =	vld [tilespmem:$0x110];
	v62 =	vshrl.u32 v56, $0x1;
	[tilespmem:$0x210] =	vst v61  }
0x21: {  	v39 =	vld [tilespmem:$0xE0];
	v63 =	vshrl.u32 v58, $0x1;
	[tilespmem:$0x2F0] =	vst v62  }
0x22: {  	v41 =	vld [tilespmem:$0xD0];
	v0 =	vshrl.u32 v30, $0x1;
	[tilespmem:$0x200] =	vst v63  }
0x23: {  	v38 =	vld [tilespmem:$0x100];
	v1 =	vshrl.u32 v33, $0x1;
	[tilespmem:$0x370] =	vst v0  }
0x24: {  	v42 =	vld [tilespmem:$0xC0];
	v4 =	vshrl.u32 v34, $0x1;
	[tilespmem:$0x350] =	vst v1  }
0x25: {  	v45 =	vld [tilespmem:$0xA0];
	v2 =	vshrl.u32 v37, $0x1;
	[tilespmem:$0x340] =	vst v4  }
0x26: {  	v46 =	vld [tilespmem:$0x90];
	v3 =	vshrl.u32 v39, $0x1;
	[tilespmem:$0x310] =	vst v2  }
0x27: {  	v48 =	vld [tilespmem:$0x60];
	v5 =	vshrl.u32 v41, $0x1;
	[tilespmem:$0x2E0] =	vst v3  }
0x28: {  	v47 =	vld [tilespmem:$0x80];
	v0 =	vshrl.u32 v38, $0x1;
	[tilespmem:$0x2D0] =	vst v5  }
0x29: {  	v51 =	vld [tilespmem:$0x40];
	v1 =	vshrl.u32 v42, $0x1;
	[tilespmem:$0x300] =	vst v0  }
0x2a: {  	s8 =	ssub.s32 $0x2, s5;
	v57 =	vld [tilespmem:$0x70];
	v4 =	vshrl.u32 v45, $0x1;
	[tilespmem:$0x2C0] =	vst v1  }
0x2b: {  	s17 =	simm.s32 $0x200;
	s11 =	simm.s32 $0x400;
	s9 =	sshrl.u32 s8, $0x1;
	v2 =	vshrl.u32 v46, $0x1;
	[tilespmem:$0x2A0] =	vst v4  }
0x2c: {  	s13 =	simm.s32 $0x1;
	s18 =	simm.s32 $0x280;
	s8 =	ssub.s32 s8, s9;
	v3 =	vshrl.u32 v48, $0x1;
	[tilespmem:$0x290] =	vst v2  }
0x2d: {  	s10 =	simm.s32 $0x4400;
	s12 =	simm.s32 $0x2;
	s19 =	smax.u32 s8, $0x1;
	v0 =	vshrl.u32 v47, $0x1;
	[tilespmem:$0x260] =	vst v3  }
0x2e: {  	s16 =	simm.s32 $0x300;
	s7 =	sshll.u32 s7, $0x4;
	p0 =	sne.s32 s19, $0x1;
	v1 =	vshrl.u32 v51, $0x1;
	[tilespmem:$0x280] =	vst v0  }
.Ltmp0:
0x2f: {  	s5 =	sadd.s32 $0xF42A00, s6;
	s6 =	sadd.s32 s7, s6;
	[tilespmem:$0x240] =	vst v1;
	v0 =	vshrl.u32 v57, $0x1;
	(pc) =	sbr.rel @!p0 .LBB2_2-.Ltmp0, $4  }
0x30: {  	s15 =	simm.s32 $0x380;
	s8 =	simm.s32 $0x80;
	s14 =	sadd.s32 $0x600, s6;
	[tilespmem:$0x270] =	vst v0  }
0x31: {  	[tilespmem:s11], [sflag:$0x1] =	stream.indirect.gather [hbm4b:s5+s8], $0x80, s17, s8, $0xb8;
	[tilespmem:$0x8400] =	vst v63  }
0x32: {  	s9 =	sadd.s32 $0xE00, s6;
	s7 =	sadd.s32 $0x1600, s6;
	_ =	swait.ge [sflag:s13], $0x4000  }
0x33: {  	s6 =	sadd.s32 $0x1E00, s6;
	s19 =	sadd.s32 $0xFFFFFFFF, s19;
	[sflag:s13] =	ssyncset.done $0x0  }
.LBB2_1:
0x34: {  	p0 =	sne.s32 s19, $0x1;
	s19 =	sadd.s32 $0xFFFFFFFF, s19;
	[sflag:s13] =	ssyncadd.s32 $0xFFFFC000  }
0x35: {  	[tilespmem:s10], [sflag:$0x2] =	stream.indirect.gather [hbm4b:s5+s8], $0x80, s18, s8, $0xb8;
	[tilespmem:$0x8400] =	vst v63  }
0x36: {  	_ = 	snop  }
0x37: {  	[hbm4b:s14+s2] =	stream.linear.scatter [tilespmem:s11], [sflag:$0x3], $0x4000, $0x38;
	[tilespmem:$0x8400] =	vst v63  }
0x38: {  	_ =	swait.ge [sflag:s3], $0x4000  }
0x39: {  	[sflag:s3] =	ssyncset.done $0x0  }
0x3a: {  	[sflag:s3] =	ssyncadd.s32 $0xFFFFC000  }
0x3b: {  	_ =	swait.ge [sflag:s12], $0x4000  }
0x3c: {  	[sflag:s12] =	ssyncset.done $0x0  }
0x3d: {  	[sflag:s12] =	ssyncadd.s32 $0xFFFFC000  }
0x3e: {  	[tilespmem:s11], [sflag:$0x1] =	stream.indirect.gather [hbm4b:s5+s8], $0x80, s16, s8, $0xb8;
	[tilespmem:$0x8400] =	vst v63  }
0x3f: {  	_ = 	snop  }
0x40: {  	[hbm4b:s9+s2] =	stream.linear.scatter [tilespmem:s10], [sflag:$0x3], $0x4000, $0x38;
	[tilespmem:$0x8400] =	vst v63  }
0x41: {  	_ =	swait.ge [sflag:s3], $0x4000  }
0x42: {  	[sflag:s3] =	ssyncset.done $0x0  }
0x43: {  	[sflag:s3] =	ssyncadd.s32 $0xFFFFC000  }
0x44: {  	_ =	swait.ge [sflag:s13], $0x4000  }
0x45: {  	[sflag:s13] =	ssyncset.done $0x0  }
0x46: {  	[sflag:s13] =	ssyncadd.s32 $0xFFFFC000  }
0x47: {  	[tilespmem:s10], [sflag:$0x2] =	stream.indirect.gather [hbm4b:s5+s8], $0x80, s15, s8, $0xb8;
	[tilespmem:$0x8400] =	vst v63  }
0x48: {  	_ = 	snop  }
0x49: {  	[hbm4b:s7+s2] =	stream.linear.scatter [tilespmem:s11], [sflag:$0x3], $0x4000, $0x38;
	[tilespmem:$0x8400] =	vst v63  }
0x4a: {  	_ =	swait.ge [sflag:s3], $0x4000  }
0x4b: {  	[sflag:s3] =	ssyncset.done $0x0  }
0x4c: {  	[sflag:s3] =	ssyncadd.s32 $0xFFFFC000  }
0x4d: {  	_ =	swait.ge [sflag:s12], $0x4000  }
0x4e: {  	[sflag:s12] =	ssyncset.done $0x0  }
0x4f: {  	[sflag:s12] =	ssyncadd.s32 $0xFFFFC000  }
0x50: {  	[hbm4b:s6+s2] =	stream.linear.scatter [tilespmem:s10], [sflag:$0x3], $0x4000, $0x38;
	[tilespmem:$0x8400] =	vst v63  }
0x51: {  	_ =	swait.ge [sflag:s3], $0x4000  }
0x52: {  	[sflag:s3] =	ssyncset.done $0x0  }
0x53: {  	[sflag:s3] =	ssyncadd.s32 $0xFFFFC000  }
0x54: {  	[tilespmem:s2], [sflag:$0x3] =	stream.linear.gather [hbm4b:s4+s2], $0x200, $0x38;
	[tilespmem:$0x8400] =	vst v63  }
0x55: {  	_ =	swait.ge [sflag:s3], $0x200  }
0x56: {  	[sflag:s3] =	ssyncset.done $0x0  }
0x57: {  	[sflag:s3] =	ssyncadd.s32 $0xFFFFFE00  }
0x58: {  	v0 =	vld [tilespmem:$0x1F0]  }
0x59: {  	v1 =	vld [tilespmem:$0x1E0]  }
0x5a: {  	v2 =	vld [tilespmem:$0x130]  }
0x5b: {  	v3 =	vld [tilespmem:$0x1D0]  }
0x5c: {  	v4 =	vld [tilespmem:$0x1C0]  }
0x5d: {  	v5 =	vld [tilespmem:$0x1B0];
	v0 =	vshrl.u32 v0, $0x1  }
0x5e: {  	v6 =	vld [tilespmem:$0x190];
	v1 =	vshrl.u32 v1, $0x1;
	[tilespmem:$0x3F0] =	vst v0  }
0x5f: {  	v0 =	vshrl.u32 v2, $0x1;
	v2 =	vld [tilespmem:$0x180];
	[tilespmem:$0x3E0] =	vst v1  }
0x60: {  	[tilespmem:$0x330] =	vst v0;
	v0 =	vld [tilespmem:$0x170];
	v1 =	vshrl.u32 v3, $0x1  }
0x61: {  	v3 =	vld [tilespmem:$0x160];
	v4 =	vshrl.u32 v4, $0x1;
	[tilespmem:$0x3D0] =	vst v1  }
0x62: {  	v1 =	vld [tilespmem:$0x150];
	v5 =	vshrl.u32 v5, $0x1;
	[tilespmem:$0x3C0] =	vst v4  }
0x63: {  	v4 =	vld [tilespmem:$0x140];
	v6 =	vshrl.u32 v6, $0x1;
	[tilespmem:$0x3B0] =	vst v5  }
0x64: {  	v5 =	vld [tilespmem:$0xB0];
	v2 =	vshrl.u32 v2, $0x1;
	[tilespmem:$0x390] =	vst v6  }
0x65: {  	v6 =	vld [tilespmem:$0x120];
	v0 =	vshrl.u32 v0, $0x1;
	[tilespmem:$0x380] =	vst v2  }
0x66: {  	v2 =	vld [tilespmem:$0x110];
	v3 =	vshrl.u32 v3, $0x1;
	[tilespmem:$0x370] =	vst v0  }
0x67: {  	v0 =	vld [tilespmem:$0x100];
	v1 =	vshrl.u32 v1, $0x1;
	[tilespmem:$0x360] =	vst v3  }
0x68: {  	v3 =	vld [tilespmem:$0xE0];
	v4 =	vshrl.u32 v4, $0x1;
	[tilespmem:$0x350] =	vst v1  }
0x69: {  	v1 =	vshrl.u32 v5, $0x1;
	v5 =	vld [tilespmem:$0xD0];
	[tilespmem:$0x340] =	vst v4  }
0x6a: {  	[tilespmem:$0x2B0] =	vst v1;
	v1 =	vld [tilespmem:$0xC0];
	v4 =	vshrl.u32 v6, $0x1  }
0x6b: {  	v6 =	vld [tilespmem:$0x30];
	v2 =	vshrl.u32 v2, $0x1;
	[tilespmem:$0x320] =	vst v4  }
0x6c: {  	v4 =	vld [tilespmem:$0xA0];
	v0 =	vshrl.u32 v0, $0x1;
	[tilespmem:$0x310] =	vst v2  }
0x6d: {  	v2 =	vld [tilespmem:$0x90];
	v3 =	vshrl.u32 v3, $0x1;
	[tilespmem:$0x300] =	vst v0  }
0x6e: {  	v0 =	vld [tilespmem:$0x80];
	v5 =	vshrl.u32 v5, $0x1;
	[tilespmem:$0x2E0] =	vst v3  }
0x6f: {  	v3 =	vld [tilespmem:$0x60];
	v1 =	vshrl.u32 v1, $0x1;
	[tilespmem:$0x2D0] =	vst v5  }
0x70: {  	v5 =	vshrl.u32 v6, $0x1;
	v6 =	vld [tilespmem:$0x50];
	[tilespmem:$0x2C0] =	vst v1  }
0x71: {  	[tilespmem:$0x230] =	vst v5;
	v1 =	vld [tilespmem:$0x40];
	v4 =	vshrl.u32 v4, $0x1  }
0x72: {  	v2 =	vshrl.u32 v2, $0x1;
	[tilespmem:$0x2A0] =	vst v4;
	v4 =	vld [tilespmem:$0x1A0]  }
0x73: {  	v5 =	vld [tilespmem:$0x20];
	v0 =	vshrl.u32 v0, $0x1;
	[tilespmem:$0x290] =	vst v2  }
0x74: {  	v2 =	vld [tilespmem:$0x10];
	v3 =	vshrl.u32 v3, $0x1;
	[tilespmem:$0x280] =	vst v0  }
0x75: {  	v0 =	vshrl.u32 v6, $0x1;
	[tilespmem:$0x260] =	vst v3;
	v3 =	vld [tilespmem:$0xF0]  }
0x76: {  	v1 =	vshrl.u32 v1, $0x1;
	[tilespmem:$0x250] =	vst v0;
	v0 =	vld [tilespmem:$0x70]  }
0x77: {  	v6 =	vld [tilespmem:$0x0];
	[tilespmem:$0x240] =	vst v1;
	v1 =	vshrl.u32 v4, $0x1  }
0x78: {  	v4 =	vshrl.u32 v5, $0x1;
	[tilespmem:$0x3A0] =	vst v1  }
0x79: {  	v1 =	vshrl.u32 v2, $0x1;
	[tilespmem:$0x220] =	vst v4  }
0x7a: {  	[tilespmem:$0x210] =	vst v1;
	v1 =	vshrl.u32 v3, $0x1  }
0x7b: {  	v0 =	vshrl.u32 v0, $0x1;
	[tilespmem:$0x2F0] =	vst v1  }
.Ltmp1:
0x7c: {  	v1 =	vshrl.u32 v6, $0x1;
	[tilespmem:$0x270] =	vst v0;
	(pc) =	sbr.rel @p0 .LBB2_1-.Ltmp1, $4  }
0x7d: {  	[tilespmem:$0x200] =	vst v1  }
0x7e: {  	[tilespmem:s11], [sflag:$0x1] =	stream.indirect.gather [hbm4b:s5+s8], $0x80, s17, s8, $0xb8;
	[tilespmem:$0x8400] =	vst v63  }
0x7f: {  	_ =	swait.ge [sflag:s13], $0x4000  }
0x80: {  	[sflag:s13] =	ssyncset.done $0x0  }
.LBB2_2:
0x81: {  	[sflag:s13] =	ssyncadd.s32 $0xFFFFC000  }
0x82: {  	[tilespmem:s10], [sflag:$0x2] =	stream.indirect.gather [hbm4b:s5+s8], $0x80, s18, s8, $0xb8;
	[tilespmem:$0x8400] =	vst v63  }
0x83: {  	_ = 	snop  }
0x84: {  	[hbm4b:s14+s2] =	stream.linear.scatter [tilespmem:s11], [sflag:$0x3], $0x4000, $0x38;
	[tilespmem:$0x8400] =	vst v63  }
0x85: {  	_ =	swait.ge [sflag:s3], $0x4000  }
0x86: {  	[sflag:s3] =	ssyncset.done $0x0  }
0x87: {  	[sflag:s3] =	ssyncadd.s32 $0xFFFFC000  }
0x88: {  	_ =	swait.ge [sflag:s12], $0x4000  }
0x89: {  	[sflag:s12] =	ssyncset.done $0x0  }
0x8a: {  	[sflag:s12] =	ssyncadd.s32 $0xFFFFC000  }
0x8b: {  	[tilespmem:s11], [sflag:$0x1] =	stream.indirect.gather [hbm4b:s5+s8], $0x80, s16, s8, $0xb8;
	[tilespmem:$0x8400] =	vst v63  }
0x8c: {  	_ = 	snop  }
0x8d: {  	[hbm4b:s9+s2] =	stream.linear.scatter [tilespmem:s10], [sflag:$0x3], $0x4000, $0x38;
	[tilespmem:$0x8400] =	vst v63  }
0x8e: {  	_ =	swait.ge [sflag:s3], $0x4000  }
0x8f: {  	[sflag:s3] =	ssyncset.done $0x0  }
0x90: {  	[sflag:s3] =	ssyncadd.s32 $0xFFFFC000  }
0x91: {  	_ =	swait.ge [sflag:s13], $0x4000  }
0x92: {  	[sflag:s13] =	ssyncset.done $0x0  }
0x93: {  	[sflag:s13] =	ssyncadd.s32 $0xFFFFC000  }
0x94: {  	[tilespmem:s10], [sflag:$0x2] =	stream.indirect.gather [hbm4b:s5+s8], $0x80, s15, s8, $0xb8;
	[tilespmem:$0x8400] =	vst v63  }
0x95: {  	_ = 	snop  }
0x96: {  	[hbm4b:s7+s2] =	stream.linear.scatter [tilespmem:s11], [sflag:$0x3], $0x4000, $0x38;
	[tilespmem:$0x8400] =	vst v63  }
0x97: {  	_ =	swait.ge [sflag:s3], $0x4000  }
0x98: {  	[sflag:s3] =	ssyncset.done $0x0  }
0x99: {  	[sflag:s3] =	ssyncadd.s32 $0xFFFFC000  }
0x9a: {  	_ =	swait.ge [sflag:s12], $0x4000  }
0x9b: {  	[sflag:s12] =	ssyncset.done $0x0  }
0x9c: {  	[sflag:s12] =	ssyncadd.s32 $0xFFFFC000  }
0x9d: {  	[hbm4b:s6+s2] =	stream.linear.scatter [tilespmem:s10], [sflag:$0x3], $0x4000, $0x38;
	[tilespmem:$0x8400] =	vst v63  }
0x9e: {  	_ =	swait.ge [sflag:s3], $0x4000  }
0x9f: {  	[sflag:s3] =	ssyncset.done $0x0  }
0xa0: {  	[sflag:s3] =	ssyncadd.s32 $0xFFFFC000  }
0xa1: {  	_ =	sfence.sel $0x180000  }
0xa2: {  	[bflag:$0x0] =	sbarrier.arrive $0xFFFF  }
0xa3: {  	p0 =	sne.s32 s0, $0x0;
	_ =	strace $0x90000047  }
0xa4: {  	s0 =	sadd.s32 @!p0 $0x100000, s1;
	[bflag:$0x2] =	sbarrier.arrive $0xFFFF  }
0xa5: {  	[sflag:s0] =	ssyncadd.tile.s32 @!p0 $0x1;
	_ =	shalt  }
.Lfunc_end2:
_tile_overlayer_lowered:
.L_overlay_start_2:
0xa6: {  	(tag) =	ssettag $0x2  }
0xa7: {  	s0 =	rddreg [dreg:$0x0];
	s2 =	stileid.u32  }
0xa8: {  	s1 =	rddreg [dreg:$0x1];
	p0 =	sne.s32 s2, $0x0  }
0xa9: {  	s3 =	rddreg [dreg:$0x2];
	[bflag:$0x3] =	sbarrier.arrive $0xFFFF;
	s2 =	simm.s32 @!p0 $0x1C03  }
0xaa: {  	[timem:s3], [sflag:s2] =	dma.local @!p0 [hbm:s0], s1  }
0xab: {  	s0 =	simm.s32 @!p0 $0x3  }
0xac: {  	_ =	swait.ge @!p0 [sflag:s0], s1  }
0xad: {  	s1 =	ssub.s32 @!p0 $0x0, s1;
	[sflag:s0] =	ssyncset.done @!p0 $0x0  }
0xae: {  	[sflag:s0] =	ssyncadd.s32 @!p0 s1  }
0xaf: {  	[bflag:$0x3] =	sbarrier.arrive $0xFFFF  }
0xb0: {  	_ =	shalt  }

</sc_bundles>
